<compile_context>
chip_gen: v7x
topology: tpu7x:2x2x1
jax: 0.10.2.dev20260603
libtpu: 0.0.44.dev20260713+nightly
codegen_flags: <defaults>
</compile_context>

<pallas_src>
import jax
import jax.numpy as jnp
from jax.experimental import pallas as pl
from jax.experimental.pallas import tpu as pltpu

_NMS_THR = 0.45
_PRE = 0.005
_B, _N, _C = 8, 5000, 4
_P = _B * _C
_T = 128
_NPAD = 5120
_NB = _NPAD // _T
_BIG = 1e30


def _suppress_kernel(x1r, y1r, x2r, y2r, aar, ssr, keepr, mref):
    keepr[:, :] = jnp.ones((_P, _NPAD), jnp.float32)
    tri =(jax.lax.broadcasted_iota(jnp.int32, (_T, _T), 1)
           > jax.lax.broadcasted_iota(jnp.int32, (_T, _T), 0))[None]

    def outer(k, carry):
        base = k * _T
        bx1 = x1r[:, pl.ds(base, _T)]
        by1 = y1r[:, pl.ds(base, _T)]
        bx2 = x2r[:, pl.ds(base, _T)]
        by2 = y2r[:, pl.ds(base, _T)]
        baa = aar[:, pl.ds(base, _T)]
        bss = ssr[:, pl.ds(base, _T)]
        gaa = jnp.where(bss > 0.0, baa, _BIG)

        iw = jnp.maximum(
            jnp.minimum(bx2[:, :, None], bx2[:, None, :])
            - jnp.maximum(bx1[:, :, None], bx1[:, None, :]), 0.0)
        ih = (jnp.minimum(by2[:, :, None], by2[:, None, :])
              - jnp.maximum(by1[:, :, None], by1[:, None, :]))
        d = iw * ih - (gaa[:, :, None] + baa[:, None, :])
        mref[...] = jnp.where(jnp.logical_and(d > 0.0, tri), 1.0, 0.0)

        bkeep = keepr[:, pl.ds(base, _T)]
        for i in range(_T):
            ki = bkeep[:, i:i + 1]
            bkeep = bkeep * (1.0 - mref[:, i, :] * ki)
        keepr[:, pl.ds(base, _T)] = bkeep

        kaa = jnp.where(bkeep > 0.0, gaa, _BIG)
        ex1 = bx1[:, :, None]
        ey1 = by1[:, :, None]
        ex2 = bx2[:, :, None]
        ey2 = by2[:, :, None]
        eaa = kaa[:, :, None]

        def over_m(m, carry2):
            mb = m * _T
            mx1 = x1r[:, pl.ds(mb, _T)][:, None, :]
            my1 = y1r[:, pl.ds(mb, _T)][:, None, :]
            mx2 = x2r[:, pl.ds(mb, _T)][:, None, :]
            my2 = y2r[:, pl.ds(mb, _T)][:, None, :]
            maa = aar[:, pl.ds(mb, _T)][:, None, :]
            iw = jnp.maximum(jnp.minimum(ex2, mx2) - jnp.maximum(ex1, mx1), 0.0)
            ih = jnp.minimum(ey2, my2) - jnp.maximum(ey1, my1)
            dd = iw * ih - (eaa + maa)
            dj = jnp.max(dd, axis=1)
            mk = keepr[:, pl.ds(mb, _T)]
            keepr[:, pl.ds(mb, _T)] = jnp.where(dj > 0.0, 0.0, mk)
            return carry2

        jax.lax.fori_loop(k + 1, _NB, over_m, 0)
        return carry

    jax.lax.fori_loop(0, _NB, outer, 0)


def _run_suppress(x1, y1, x2, y2, aa, ss, interpret=False):
    return pl.pallas_call(
        _suppress_kernel,
        out_shape=jax.ShapeDtypeStruct((_P, _NPAD), jnp.float32),
        scratch_shapes=[pltpu.VMEM((_P, _T, _T), jnp.float32)],
        interpret=interpret,
    )(x1, y1, x2, y2, aa, ss)


def kernel(bbs, conf):
    s = jnp.where(conf > _PRE, conf, 0.0).reshape(_P, _N)
    order = jnp.argsort(-s, axis=-1)
    ss = jnp.take_along_axis(s, order, axis=-1)
    bx = jnp.broadcast_to(bbs[:, None], (_B, _C, _N, 4)).reshape(_P, _N, 4)
    sb = jnp.take_along_axis(bx, order[:, :, None], axis=1)
    x1, y1, x2, y2 = (sb[..., i] for i in range(4))
    aa = (_NMS_THR / (1.0 + _NMS_THR)) * (
        jnp.maximum(x2 - x1, 0.0) * jnp.maximum(y2 - y1, 0.0))

    padw = ((0, 0), (0, _NPAD - _N))
    pf = lambda a: jnp.pad(a, padw)
    keep = _run_suppress(pf(x1), pf(y1), pf(x2), pf(y2), pf(aa), pf(ss))

    out_sorted = jnp.where(keep[:, :_N] > 0.0, ss, 0.0)
    inv = jnp.argsort(order, axis=-1)
    out = jnp.take_along_axis(out_sorted, inv, axis=-1)
    return out.reshape(_B, _C, _N)

# --- scband reference (transcript-rebuilt; emitter-appended) ---
"""Pipeline reference for scband-nmsfilter-86122684219468 (READ-ONLY COPY).

The authoritative reference and input builder live on the scoring server;
editing this copy changes nothing except your own understanding.
"""

import jax, jax.numpy as jnp
import numpy as np

NMS_THRESHOLD = 0.45
CLASSES = 4
PRE_THRESHOLD = 0.005
FIRST_CLASS = 0
B, N, C = 8, 5000, 4


def setup_inputs(seed: int = 0) -> dict:
    key = jax.random.key(seed)
    k1, k2, k3 = jax.random.split(key, 3)
    # build valid corner-format boxes: x1<x2, y1<y2 in a 512x512 canvas
    cxcy = jax.random.uniform(k1, (B, N, 2), dtype=jnp.float32) * 512.0
    wh = jax.random.uniform(k2, (B, N, 2), dtype=jnp.float32) * 64.0 + 4.0
    x1y1 = cxcy - wh / 2.0
    x2y2 = cxcy + wh / 2.0
    bbs = jnp.concatenate([x1y1, x2y2], axis=-1)
    conf = jax.random.uniform(k3, (B, C, N), dtype=jnp.float32)
    return {"bbs": bbs, "conf": conf}


def _iou_one_vs_all(box, boxes):
    x1 = jnp.maximum(box[0], boxes[:, 0])
    y1 = jnp.maximum(box[1], boxes[:, 1])
    x2 = jnp.minimum(box[2], boxes[:, 2])
    y2 = jnp.minimum(box[3], boxes[:, 3])
    inter = jnp.clip(x2 - x1, 0.0) * jnp.clip(y2 - y1, 0.0)
    area_a = jnp.clip(box[2] - box[0], 0.0) * jnp.clip(box[3] - box[1], 0.0)
    area_b = jnp.clip(boxes[:, 2] - boxes[:, 0], 0.0) * jnp.clip(boxes[:, 3] - boxes[:, 1], 0.0)
    union = area_a + area_b - inter
    return jnp.where(union > 0.0, inter / union, 0.0)


def _nms_single(boxes, scores):
    # pre-threshold: zero out confidences below pre_threshold before NMS
    if PRE_THRESHOLD > 0:
        s = jnp.where(scores > PRE_THRESHOLD, scores, 0.0)
    else:
        s = scores
    n = s.shape[0]
    order = jnp.argsort(-s)
    sb = boxes[order]
    ss = s[order]
    idx = jnp.arange(n)

    def body(i, keep):
        ious = _iou_one_vs_all(sb[i], sb)
        active = keep[i] & (ss[i] > 0.0)
        suppress = (ious > NMS_THRESHOLD) & (idx > i) & active
        return keep & (~suppress)

    keep = jax.lax.fori_loop(0, n, body, jnp.ones((n,), dtype=bool))
    out_sorted = jnp.where(keep, ss, 0.0)
    return jnp.zeros((n,), dtype=s.dtype).at[order].set(out_sorted)


def reference(bbs, conf):
    # each batch and each class filtered independently; channels outside
    # [first_class, first_class+classes) pass through unfiltered
    ncls = CLASSES if CLASSES != -1 else conf.shape[1] - FIRST_CLASS
    sl = conf[:, FIRST_CLASS:FIRST_CLASS + ncls, :]
    per_image = lambda boxes, cs: jax.vmap(lambda s: _nms_single(boxes, s))(cs)
    filt = jax.vmap(per_image)(bbs, sl)
    top_conf = conf.at[:, FIRST_CLASS:FIRST_CLASS + ncls, :].set(filt)
    return top_conf

if __name__ == "__main__":
    import jax
    _d = setup_inputs()
    print(jax.jit(kernel)(*tuple(_d.values())))

</pallas_src>

<mosaic_0001>
module attributes {stable_mosaic.version = 14 : i64} {
  func.func @_suppress_kernel(%arg0: memref<32x5120xf32, #tpu.memory_space<vmem>>, %arg1: memref<32x5120xf32, #tpu.memory_space<vmem>>, %arg2: memref<32x5120xf32, #tpu.memory_space<vmem>>, %arg3: memref<32x5120xf32, #tpu.memory_space<vmem>>, %arg4: memref<32x5120xf32, #tpu.memory_space<vmem>>, %arg5: memref<32x5120xf32, #tpu.memory_space<vmem>>, %arg6: memref<32x5120xf32, #tpu.memory_space<vmem>>, %arg7: memref<32x128x128xf32, #tpu.memory_space<vmem>>) attributes {dimension_semantics = [], scalar_prefetch = 0 : i64, scratch_operands = 1 : i64, tpu.core_type = #tpu.core_type<tc>} {
    %broadcast_in_dim3A = arith.constant 1.000000e+00 : f32
    %broadcast_in_dim3A_0 = vector.broadcast %broadcast_in_dim3A : f32 to vector<32x5120xf32>
    %swap3A = arith.constant 0 : index
    %swap3A_1 = arith.constant 0 : index
    %swap3A_2 = vector.load %arg6[%swap3A, %swap3A_1] : memref<32x5120xf32, #tpu.memory_space<vmem>>, vector<32x5120xf32>
    tpu.vector_store %arg6[%swap3A, %swap3A_1], %broadcast_in_dim3A_0 {strides = array<i32>} : memref<32x5120xf32, #tpu.memory_space<vmem>>, vector<32x5120xf32>,
    %iota3A = tpu.iota {dimensions = array<i32: 1>} : vector<128x128xi32>
    %iota3A_3 = tpu.iota {dimensions = array<i32: 0>} : vector<128x128xi32>
    %gt3A = arith.cmpi sgt, %iota3A, %iota3A_3 : vector<128x128xi32>
    %broadcast_in_dim3A_4 = vector.shape_cast %gt3A : vector<128x128xi1> to vector<1x128x128xi1>
    %scan3A = arith.constant 0 : i32
    %scan3A_5 = arith.constant 40 : i32
    %scan3A_6 = arith.addi %scan3A, %scan3A_5 : i32
    %scan3A_7 = arith.constant 1 : i32
    scf.for %scan3A_9 = %scan3A to %scan3A_6 step %scan3A_7  : i32 {
      %mul3A = arith.constant 128 : i32
      %mul3A_10 = arith.muli %scan3A_9, %mul3A : i32
      %get3A = arith.constant 0 : index
      %get3A_11 = arith.index_cast %mul3A_10 : i32 to index
      %get3A_12 = vector.load %arg0[%get3A, %get3A_11] : memref<32x5120xf32, #tpu.memory_space<vmem>>, vector<32x128xf32>
      %get3A_13 = arith.constant 0 : index
      %get3A_14 = arith.index_cast %mul3A_10 : i32 to index
      %get3A_15 = vector.load %arg1[%get3A_13, %get3A_14] : memref<32x5120xf32, #tpu.memory_space<vmem>>, vector<32x128xf32>
      %get3A_16 = arith.constant 0 : index
      %get3A_17 = arith.index_cast %mul3A_10 : i32 to index
      %get3A_18 = vector.load %arg2[%get3A_16, %get3A_17] : memref<32x5120xf32, #tpu.memory_space<vmem>>, vector<32x128xf32>
      %get3A_19 = arith.constant 0 : index
      %get3A_20 = arith.index_cast %mul3A_10 : i32 to index
      %get3A_21 = vector.load %arg3[%get3A_19, %get3A_20] : memref<32x5120xf32, #tpu.memory_space<vmem>>, vector<32x128xf32>
      %get3A_22 = arith.constant 0 : index
      %get3A_23 = arith.index_cast %mul3A_10 : i32 to index
      %get3A_24 = vector.load %arg4[%get3A_22, %get3A_23] : memref<32x5120xf32, #tpu.memory_space<vmem>>, vector<32x128xf32>
      %get3A_25 = arith.constant 0 : index
      %get3A_26 = arith.index_cast %mul3A_10 : i32 to index
      %get3A_27 = vector.load %arg5[%get3A_25, %get3A_26] : memref<32x5120xf32, #tpu.memory_space<vmem>>, vector<32x128xf32>
      %gt3A_28 = arith.constant 0.000000e+00 : f32
      %gt3A_29 = vector.broadcast %gt3A_28 : f32 to vector<32x128xf32>
      %gt3A_30 = arith.cmpf ogt, %get3A_27, %gt3A_29 : vector<32x128xf32>
      %jit3A = arith.constant 1.000000e+30 : f32
      %broadcast_in_dim3A_31 = vector.broadcast %jit3A : f32 to vector<32x128xf32>
      %select_n3A = arith.select %gt3A_30, %get3A_24, %broadcast_in_dim3A_31 : vector<32x128xi1>, vector<32x128xf32>
      %broadcast_in_dim3A_32 = vector.shape_cast %get3A_18 : vector<32x128xf32> to vector<32x128x1xf32>
      %broadcast_in_dim3A_33 = vector.shape_cast %get3A_18 : vector<32x128xf32> to vector<32x1x128xf32>
      %min3A = vector.broadcast %broadcast_in_dim3A_32 : vector<32x128x1xf32> to vector<32x128x128xf32>
      %min3A_34 = vector.broadcast %broadcast_in_dim3A_33 : vector<32x1x128xf32> to vector<32x128x128xf32>
      %min3A_35 = arith.minimumf %min3A, %min3A_34 : vector<32x128x128xf32>
      %broadcast_in_dim3A_36 = vector.shape_cast %get3A_12 : vector<32x128xf32> to vector<32x128x1xf32>
      %broadcast_in_dim3A_37 = vector.shape_cast %get3A_12 : vector<32x128xf32> to vector<32x1x128xf32>
      %max3A = vector.broadcast %broadcast_in_dim3A_36 : vector<32x128x1xf32> to vector<32x128x128xf32>
      %max3A_38 = vector.broadcast %broadcast_in_dim3A_37 : vector<32x1x128xf32> to vector<32x128x128xf32>
      %max3A_39 = arith.maximumf %max3A, %max3A_38 : vector<32x128x128xf32>
      %sub3A = arith.subf %min3A_35, %max3A_39 : vector<32x128x128xf32>
      %max3A_40 = arith.constant 0.000000e+00 : f32
      %max3A_41 = vector.broadcast %max3A_40 : f32 to vector<32x128x128xf32>
      %max3A_42 = arith.maximumf %sub3A, %max3A_41 : vector<32x128x128xf32>
      %broadcast_in_dim3A_43 = vector.shape_cast %get3A_21 : vector<32x128xf32> to vector<32x128x1xf32>
      %broadcast_in_dim3A_44 = vector.shape_cast %get3A_21 : vector<32x128xf32> to vector<32x1x128xf32>
      %min3A_45 = vector.broadcast %broadcast_in_dim3A_43 : vector<32x128x1xf32> to vector<32x128x128xf32>
      %min3A_46 = vector.broadcast %broadcast_in_dim3A_44 : vector<32x1x128xf32> to vector<32x128x128xf32>
      %min3A_47 = arith.minimumf %min3A_45, %min3A_46 : vector<32x128x128xf32>
      %broadcast_in_dim3A_48 = vector.shape_cast %get3A_15 : vector<32x128xf32> to vector<32x128x1xf32>
      %broadcast_in_dim3A_49 = vector.shape_cast %get3A_15 : vector<32x128xf32> to vector<32x1x128xf32>
      %max3A_50 = vector.broadcast %broadcast_in_dim3A_48 : vector<32x128x1xf32> to vector<32x128x128xf32>
      %max3A_51 = vector.broadcast %broadcast_in_dim3A_49 : vector<32x1x128xf32> to vector<32x128x128xf32>
      %max3A_52 = arith.maximumf %max3A_50, %max3A_51 : vector<32x128x128xf32>
      %sub3A_53 = arith.subf %min3A_47, %max3A_52 : vector<32x128x128xf32>
      %mul3A_54 = arith.mulf %max3A_42, %sub3A_53 : vector<32x128x128xf32>
      %broadcast_in_dim3A_55 = vector.shape_cast %select_n3A : vector<32x128xf32> to vector<32x128x1xf32>
      %broadcast_in_dim3A_56 = vector.shape_cast %get3A_24 : vector<32x128xf32> to vector<32x1x128xf32>
      %add3A = vector.broadcast %broadcast_in_dim3A_55 : vector<32x128x1xf32> to vector<32x128x128xf32>
      %add3A_57 = vector.broadcast %broadcast_in_dim3A_56 : vector<32x1x128xf32> to vector<32x128x128xf32>
      %add3A_58 = arith.addf %add3A, %add3A_57 : vector<32x128x128xf32>
      %sub3A_59 = arith.subf %mul3A_54, %add3A_58 : vector<32x128x128xf32>
      %gt3A_60 = arith.constant 0.000000e+00 : f32
      %gt3A_61 = vector.broadcast %gt3A_60 : f32 to vector<32x128x128xf32>
      %gt3A_62 = arith.cmpf ogt, %sub3A_59, %gt3A_61 : vector<32x128x128xf32>
      %and3A = vector.broadcast %broadcast_in_dim3A_4 : vector<1x128x128xi1> to vector<32x128x128xi1>
      %and3A_63 = arith.andi %gt3A_62, %and3A : vector<32x128x128xi1>
      %jit3A_64 = arith.constant 1.000000e+00 : f32
      %jit3A_65 = arith.constant 0.000000e+00 : f32
      %broadcast_in_dim3A_66 = vector.broadcast %jit3A_64 : f32 to vector<32x128x128xf32>
      %broadcast_in_dim3A_67 = vector.broadcast %jit3A_65 : f32 to vector<32x128x128xf32>
      %select_n3A_68 = arith.select %and3A_63, %broadcast_in_dim3A_66, %broadcast_in_dim3A_67 : vector<32x128x128xi1>, vector<32x128x128xf32>
      %swap3A_69 = arith.constant 0 : index
      %swap3A_70 = arith.constant 0 : index
      %swap3A_71 = arith.constant 0 : index
      %swap3A_72 = vector.load %arg7[%swap3A_69, %swap3A_70, %swap3A_71] : memref<32x128x128xf32, #tpu.memory_space<vmem>>, vector<32x128x128xf32>
      tpu.vector_store %arg7[%swap3A_69, %swap3A_70, %swap3A_71], %select_n3A_68 {strides = array<i32>} : memref<32x128x128xf32, #tpu.memory_space<vmem>>, vector<32x128x128xf32>,
      %get3A_73 = arith.constant 0 : index
      %get3A_74 = arith.index_cast %mul3A_10 : i32 to index
      %get3A_75 = vector.load %arg6[%get3A_73, %get3A_74] : memref<32x5120xf32, #tpu.memory_space<vmem>>, vector<32x128xf32>
      %slice3A = vector.extract_strided_slice %get3A_75 {offsets = [0, 0], sizes = [32, 1], strides = [1, 1]} : vector<32x128xf32> to vector<32x1xf32>
      %get3A_76 = arith.constant 0 : index
      %get3A_77 = arith.constant 0 : index
      %get3A_78 = arith.constant 0 : index
      %get3A_79 = vector.load %arg7[%get3A_76, %get3A_77, %get3A_78] : memref<32x128x128xf32, #tpu.memory_space<vmem>>, vector<32x1x128xf32>
      %get3A_80 = vector.shape_cast %get3A_79 : vector<32x1x128xf32> to vector<32x128xf32>
      %mul3A_81 = vector.broadcast %slice3A : vector<32x1xf32> to vector<32x128xf32>
      %mul3A_82 = arith.mulf %get3A_80, %mul3A_81 : vector<32x128xf32>
      %sub3A_83 = arith.constant 1.000000e+00 : f32
      %sub3A_84 = vector.broadcast %sub3A_83 : f32 to vector<32x128xf32>
      %sub3A_85 = arith.subf %sub3A_84, %mul3A_82 : vector<32x128xf32>
      %mul3A_86 = arith.mulf %get3A_75, %sub3A_85 : vector<32x128xf32>
      %slice3A_87 = vector.extract_strided_slice %mul3A_86 {offsets = [0, 1], sizes = [32, 1], strides = [1, 1]} : vector<32x128xf32> to vector<32x1xf32>
      %get3A_88 = arith.constant 0 : index
      %get3A_89 = arith.constant 1 : index
      %get3A_90 = arith.constant 0 : index
      %get3A_91 = vector.load %arg7[%get3A_88, %get3A_89, %get3A_90] : memref<32x128x128xf32, #tpu.memory_space<vmem>>, vector<32x1x128xf32>
      %get3A_92 = vector.shape_cast %get3A_91 : vector<32x1x128xf32> to vector<32x128xf32>
      %mul3A_93 = vector.broadcast %slice3A_87 : vector<32x1xf32> to vector<32x128xf32>
      %mul3A_94 = arith.mulf %get3A_92, %mul3A_93 : vector<32x128xf32>
      %sub3A_95 = arith.constant 1.000000e+00 : f32
      %sub3A_96 = vector.broadcast %sub3A_95 : f32 to vector<32x128xf32>
      %sub3A_97 = arith.subf %sub3A_96, %mul3A_94 : vector<32x128xf32>
      %mul3A_98 = arith.mulf %mul3A_86, %sub3A_97 : vector<32x128xf32>
      %slice3A_99 = vector.extract_strided_slice %mul3A_98 {offsets = [0, 2], sizes = [32, 1], strides = [1, 1]} : vector<32x128xf32> to vector<32x1xf32>
      %get3A_100 = arith.constant 0 : index
      %get3A_101 = arith.constant 2 : index
      %get3A_102 = arith.constant 0 : index
      %get3A_103 = vector.load %arg7[%get3A_100, %get3A_101, %get3A_102] : memref<32x128x128xf32, #tpu.memory_space<vmem>>, vector<32x1x128xf32>
      %get3A_104 = vector.shape_cast %get3A_103 : vector<32x1x128xf32> to vector<32x128xf32>
      %mul3A_105 = vector.broadcast %slice3A_99 : vector<32x1xf32> to vector<32x128xf32>
      %mul3A_106 = arith.mulf %get3A_104, %mul3A_105 : vector<32x128xf32>
      %sub3A_107 = arith.constant 1.000000e+00 : f32
      %sub3A_108 = vector.broadcast %sub3A_107 : f32 to vector<32x128xf32>
      %sub3A_109 = arith.subf %sub3A_108, %mul3A_106 : vector<32x128xf32>
      %mul3A_110 = arith.mulf %mul3A_98, %sub3A_109 : vector<32x128xf32>
      %slice3A_111 = vector.extract_strided_slice %mul3A_110 {offsets = [0, 3], sizes = [32, 1], strides = [1, 1]} : vector<32x128xf32> to vector<32x1xf32>
      %get3A_112 = arith.constant 0 : index
      %get3A_113 = arith.constant 3 : index
      %get3A_114 = arith.constant 0 : index
      %get3A_115 = vector.load %arg7[%get3A_112, %get3A_113, %get3A_114] : memref<32x128x128xf32, #tpu.memory_space<vmem>>, vector<32x1x128xf32>
      %get3A_116 = vector.shape_cast %get3A_115 : vector<32x1x128xf32> to vector<32x128xf32>
      %mul3A_117 = vector.broadcast %slice3A_111 : vector<32x1xf32> to vector<32x128xf32>
      %mul3A_118 = arith.mulf %get3A_116, %mul3A_117 : vector<32x128xf32>
      %sub3A_119 = arith.constant 1.000000e+00 : f32
      %sub3A_120 = vector.broadcast %sub3A_119 : f32 to vector<32x128xf32>
      %sub3A_121 = arith.subf %sub3A_120, %mul3A_118 : vector<32x128xf32>
      %mul3A_122 = arith.mulf %mul3A_110, %sub3A_121 : vector<32x128xf32>
      %slice3A_123 = vector.extract_strided_slice %mul3A_122 {offsets = [0, 4], sizes = [32, 1], strides = [1, 1]} : vector<32x128xf32> to vector<32x1xf32>
      %get3A_124 = arith.constant 0 : index
      %get3A_125 = arith.constant 4 : index
      %get3A_126 = arith.constant 0 : index
      %get3A_127 = vector.load %arg7[%get3A_124, %get3A_125, %get3A_126] : memref<32x128x128xf32, #tpu.memory_space<vmem>>, vector<32x1x128xf32>
      %get3A_128 = vector.shape_cast %get3A_127 : vector<32x1x128xf32> to vector<32x128xf32>
      %mul3A_129 = vector.broadcast %slice3A_123 : vector<32x1xf32> to vector<32x128xf32>
      %mul3A_130 = arith.mulf %get3A_128, %mul3A_129 : vector<32x128xf32>
      %sub3A_131 = arith.constant 1.000000e+00 : f32
      %sub3A_132 = vector.broadcast %sub3A_131 : f32 to vector<32x128xf32>
      %sub3A_133 = arith.subf %sub3A_132, %mul3A_130 : vector<32x128xf32>
      %mul3A_134 = arith.mulf %mul3A_122, %sub3A_133 : vector<32x128xf32>
      %slice3A_135 = vector.extract_strided_slice %mul3A_134 {offsets = [0, 5], sizes = [32, 1], strides = [1, 1]} : vector<32x128xf32> to vector<32x1xf32>
      %get3A_136 = arith.constant 0 : index
      %get3A_137 = arith.constant 5 : index
      %get3A_138 = arith.constant 0 : index
      %get3A_139 = vector.load %arg7[%get3A_136, %get3A_137, %get3A_138] : memref<32x128x128xf32, #tpu.memory_space<vmem>>, vector<32x1x128xf32>
      %get3A_140 = vector.shape_cast %get3A_139 : vector<32x1x128xf32> to vector<32x128xf32>
      %mul3A_141 = vector.broadcast %slice3A_135 : vector<32x1xf32> to vector<32x128xf32>
      %mul3A_142 = arith.mulf %get3A_140, %mul3A_141 : vector<32x128xf32>
      %sub3A_143 = arith.constant 1.000000e+00 : f32
      %sub3A_144 = vector.broadcast %sub3A_143 : f32 to vector<32x128xf32>
      %sub3A_145 = arith.subf %sub3A_144, %mul3A_142 : vector<32x128xf32>
      %mul3A_146 = arith.mulf %mul3A_134, %sub3A_145 : vector<32x128xf32>
      %slice3A_147 = vector.extract_strided_slice %mul3A_146 {offsets = [0, 6], sizes = [32, 1], strides = [1, 1]} : vector<32x128xf32> to vector<32x1xf32>
      %get3A_148 = arith.constant 0 : index
      %get3A_149 = arith.constant 6 : index
      %get3A_150 = arith.constant 0 : index
      %get3A_151 = vector.load %arg7[%get3A_148, %get3A_149, %get3A_150] : memref<32x128x128xf32, #tpu.memory_space<vmem>>, vector<32x1x128xf32>
      %get3A_152 = vector.shape_cast %get3A_151 : vector<32x1x128xf32> to vector<32x128xf32>
      %mul3A_153 = vector.broadcast %slice3A_147 : vector<32x1xf32> to vector<32x128xf32>
      %mul3A_154 = arith.mulf %get3A_152, %mul3A_153 : vector<32x128xf32>
      %sub3A_155 = arith.constant 1.000000e+00 : f32
      %sub3A_156 = vector.broadcast %sub3A_155 : f32 to vector<32x128xf32>
      %sub3A_157 = arith.subf %sub3A_156, %mul3A_154 : vector<32x128xf32>
      %mul3A_158 = arith.mulf %mul3A_146, %sub3A_157 : vector<32x128xf32>
      %slice3A_159 = vector.extract_strided_slice %mul3A_158 {offsets = [0, 7], sizes = [32, 1], strides = [1, 1]} : vector<32x128xf32> to vector<32x1xf32>
      %get3A_160 = arith.constant 0 : index
      %get3A_161 = arith.constant 7 : index
      %get3A_162 = arith.constant 0 : index
      %get3A_163 = vector.load %arg7[%get3A_160, %get3A_161, %get3A_162] : memref<32x128x128xf32, #tpu.memory_space<vmem>>, vector<32x1x128xf32>
      %get3A_164 = vector.shape_cast %get3A_163 : vector<32x1x128xf32> to vector<32x128xf32>
      %mul3A_165 = vector.broadcast %slice3A_159 : vector<32x1xf32> to vector<32x128xf32>
      %mul3A_166 = arith.mulf %get3A_164, %mul3A_165 : vector<32x128xf32>
      %sub3A_167 = arith.constant 1.000000e+00 : f32
      %sub3A_168 = vector.broadcast %sub3A_167 : f32 to vector<32x128xf32>
      %sub3A_169 = arith.subf %sub3A_168, %mul3A_166 : vector<32x128xf32>
      %mul3A_170 = arith.mulf %mul3A_158, %sub3A_169 : vector<32x128xf32>
      %slice3A_171 = vector.extract_strided_slice %mul3A_170 {offsets = [0, 8], sizes = [32, 1], strides = [1, 1]} : vector<32x128xf32> to vector<32x1xf32>
      %get3A_172 = arith.constant 0 : index
      %get3A_173 = arith.constant 8 : index
      %get3A_174 = arith.constant 0 : index
      %get3A_175 = vector.load %arg7[%get3A_172, %get3A_173, %get3A_174] : memref<32x128x128xf32, #tpu.memory_space<vmem>>, vector<32x1x128xf32>
      %get3A_176 = vector.shape_cast %get3A_175 : vector<32x1x128xf32> to vector<32x128xf32>
      %mul3A_177 = vector.broadcast %slice3A_171 : vector<32x1xf32> to vector<32x128xf32>
      %mul3A_178 = arith.mulf %get3A_176, %mul3A_177 : vector<32x128xf32>
      %sub3A_179 = arith.constant 1.000000e+00 : f32
      %sub3A_180 = vector.broadcast %sub3A_179 : f32 to vector<32x128xf32>
      %sub3A_181 = arith.subf %sub3A_180, %mul3A_178 : vector<32x128xf32>
      %mul3A_182 = arith.mulf %mul3A_170, %sub3A_181 : vector<32x128xf32>
      %slice3A_183 = vector.extract_strided_slice %mul3A_182 {offsets = [0, 9], sizes = [32, 1], strides = [1, 1]} : vector<32x128xf32> to vector<32x1xf32>
      %get3A_184 = arith.constant 0 : index
      %get3A_185 = arith.constant 9 : index
      %get3A_186 = arith.constant 0 : index
      %get3A_187 = vector.load %arg7[%get3A_184, %get3A_185, %get3A_186] : memref<32x128x128xf32, #tpu.memory_space<vmem>>, vector<32x1x128xf32>
      %get3A_188 = vector.shape_cast %get3A_187 : vector<32x1x128xf32> to vector<32x128xf32>
      %mul3A_189 = vector.broadcast %slice3A_183 : vector<32x1xf32> to vector<32x128xf32>
      %mul3A_190 = arith.mulf %get3A_188, %mul3A_189 : vector<32x128xf32>
      %sub3A_191 = arith.constant 1.000000e+00 : f32
      %sub3A_192 = vector.broadcast %sub3A_191 : f32 to vector<32x128xf32>
      %sub3A_193 = arith.subf %sub3A_192, %mul3A_190 : vector<32x128xf32>
      %mul3A_194 = arith.mulf %mul3A_182, %sub3A_193 : vector<32x128xf32>
      %slice3A_195 = vector.extract_strided_slice %mul3A_194 {offsets = [0, 10], sizes = [32, 1], strides = [1, 1]} : vector<32x128xf32> to vector<32x1xf32>
      %get3A_196 = arith.constant 0 : index
      %get3A_197 = arith.constant 10 : index
      %get3A_198 = arith.constant 0 : index
      %get3A_199 = vector.load %arg7[%get3A_196, %get3A_197, %get3A_198] : memref<32x128x128xf32, #tpu.memory_space<vmem>>, vector<32x1x128xf32>
      %get3A_200 = vector.shape_cast %get3A_199 : vector<32x1x128xf32> to vector<32x128xf32>
      %mul3A_201 = vector.broadcast %slice3A_195 : vector<32x1xf32> to vector<32x128xf32>
      %mul3A_202 = arith.mulf %get3A_200, %mul3A_201 : vector<32x128xf32>
      %sub3A_203 = arith.constant 1.000000e+00 : f32
      %sub3A_204 = vector.broadcast %sub3A_203 : f32 to vector<32x128xf32>
      %sub3A_205 = arith.subf %sub3A_204, %mul3A_202 : vector<32x128xf32>
      %mul3A_206 = arith.mulf %mul3A_194, %sub3A_205 : vector<32x128xf32>
      %slice3A_207 = vector.extract_strided_slice %mul3A_206 {offsets = [0, 11], sizes = [32, 1], strides = [1, 1]} : vector<32x128xf32> to vector<32x1xf32>
      %get3A_208 = arith.constant 0 : index
      %get3A_209 = arith.constant 11 : index
      %get3A_210 = arith.constant 0 : index
      %get3A_211 = vector.load %arg7[%get3A_208, %get3A_209, %get3A_210] : memref<32x128x128xf32, #tpu.memory_space<vmem>>, vector<32x1x128xf32>
      %get3A_212 = vector.shape_cast %get3A_211 : vector<32x1x128xf32> to vector<32x128xf32>
      %mul3A_213 = vector.broadcast %slice3A_207 : vector<32x1xf32> to vector<32x128xf32>
      %mul3A_214 = arith.mulf %get3A_212, %mul3A_213 : vector<32x128xf32>
      %sub3A_215 = arith.constant 1.000000e+00 : f32
      %sub3A_216 = vector.broadcast %sub3A_215 : f32 to vector<32x128xf32>
      %sub3A_217 = arith.subf %sub3A_216, %mul3A_214 : vector<32x128xf32>
      %mul3A_218 = arith.mulf %mul3A_206, %sub3A_217 : vector<32x128xf32>
      %slice3A_219 = vector.extract_strided_slice %mul3A_218 {offsets = [0, 12], sizes = [32, 1], strides = [1, 1]} : vector<32x128xf32> to vector<32x1xf32>
      %get3A_220 = arith.constant 0 : index
      %get3A_221 = arith.constant 12 : index
      %get3A_222 = arith.constant 0 : index
      %get3A_223 = vector.load %arg7[%get3A_220, %get3A_221, %get3A_222] : memref<32x128x128xf32, #tpu.memory_space<vmem>>, vector<32x1x128xf32>
      %get3A_224 = vector.shape_cast %get3A_223 : vector<32x1x128xf32> to vector<32x128xf32>
      %mul3A_225 = vector.broadcast %slice3A_219 : vector<32x1xf32> to vector<32x128xf32>
      %mul3A_226 = arith.mulf %get3A_224, %mul3A_225 : vector<32x128xf32>
      %sub3A_227 = arith.constant 1.000000e+00 : f32
      %sub3A_228 = vector.broadcast %sub3A_227 : f32 to vector<32x128xf32>
      %sub3A_229 = arith.subf %sub3A_228, %mul3A_226 : vector<32x128xf32>
      %mul3A_230 = arith.mulf %mul3A_218, %sub3A_229 : vector<32x128xf32>
      %slice3A_231 = vector.extract_strided_slice %mul3A_230 {offsets = [0, 13], sizes = [32, 1], strides = [1, 1]} : vector<32x128xf32> to vector<32x1xf32>
      %get3A_232 = arith.constant 0 : index
      %get3A_233 = arith.constant 13 : index
      %get3A_234 = arith.constant 0 : index
      %get3A_235 = vector.load %arg7[%get3A_232, %get3A_233, %get3A_234] : memref<32x128x128xf32, #tpu.memory_space<vmem>>, vector<32x1x128xf32>
      %get3A_236 = vector.shape_cast %get3A_235 : vector<32x1x128xf32> to vector<32x128xf32>
      %mul3A_237 = vector.broadcast %slice3A_231 : vector<32x1xf32> to vector<32x128xf32>
      %mul3A_238 = arith.mulf %get3A_236, %mul3A_237 : vector<32x128xf32>
      %sub3A_239 = arith.constant 1.000000e+00 : f32
      %sub3A_240 = vector.broadcast %sub3A_239 : f32 to vector<32x128xf32>
      %sub3A_241 = arith.subf %sub3A_240, %mul3A_238 : vector<32x128xf32>
      %mul3A_242 = arith.mulf %mul3A_230, %sub3A_241 : vector<32x128xf32>
      %slice3A_243 = vector.extract_strided_slice %mul3A_242 {offsets = [0, 14], sizes = [32, 1], strides = [1, 1]} : vector<32x128xf32> to vector<32x1xf32>
      %get3A_244 = arith.constant 0 : index
      %get3A_245 = arith.constant 14 : index
      %get3A_246 = arith.constant 0 : index
      %get3A_247 = vector.load %arg7[%get3A_244, %get3A_245, %get3A_246] : memref<32x128x128xf32, #tpu.memory_space<vmem>>, vector<32x1x128xf32>
      %get3A_248 = vector.shape_cast %get3A_247 : vector<32x1x128xf32> to vector<32x128xf32>
      %mul3A_249 = vector.broadcast %slice3A_243 : vector<32x1xf32> to vector<32x128xf32>
      %mul3A_250 = arith.mulf %get3A_248, %mul3A_249 : vector<32x128xf32>
      %sub3A_251 = arith.constant 1.000000e+00 : f32
      %sub3A_252 = vector.broadcast %sub3A_251 : f32 to vector<32x128xf32>
      %sub3A_253 = arith.subf %sub3A_252, %mul3A_250 : vector<32x128xf32>
      %mul3A_254 = arith.mulf %mul3A_242, %sub3A_253 : vector<32x128xf32>
      %slice3A_255 = vector.extract_strided_slice %mul3A_254 {offsets = [0, 15], sizes = [32, 1], strides = [1, 1]} : vector<32x128xf32> to vector<32x1xf32>
      %get3A_256 = arith.constant 0 : index
      %get3A_257 = arith.constant 15 : index
      %get3A_258 = arith.constant 0 : index
      %get3A_259 = vector.load %arg7[%get3A_256, %get3A_257, %get3A_258] : memref<32x128x128xf32, #tpu.memory_space<vmem>>, vector<32x1x128xf32>
      %get3A_260 = vector.shape_cast %get3A_259 : vector<32x1x128xf32> to vector<32x128xf32>
      %mul3A_261 = vector.broadcast %slice3A_255 : vector<32x1xf32> to vector<32x128xf32>
      %mul3A_262 = arith.mulf %get3A_260, %mul3A_261 : vector<32x128xf32>
      %sub3A_263 = arith.constant 1.000000e+00 : f32
      %sub3A_264 = vector.broadcast %sub3A_263 : f32 to vector<32x128xf32>
      %sub3A_265 = arith.subf %sub3A_264, %mul3A_262 : vector<32x128xf32>
      %mul3A_266 = arith.mulf %mul3A_254, %sub3A_265 : vector<32x128xf32>
      %slice3A_267 = vector.extract_strided_slice %mul3A_266 {offsets = [0, 16], sizes = [32, 1], strides = [1, 1]} : vector<32x128xf32> to vector<32x1xf32>
      %get3A_268 = arith.constant 0 : index
      %get3A_269 = arith.constant 16 : index
      %get3A_270 = arith.constant 0 : index
      %get3A_271 = vector.load %arg7[%get3A_268, %get3A_269, %get3A_270] : memref<32x128x128xf32, #tpu.memory_space<vmem>>, vector<32x1x128xf32>
      %get3A_272 = vector.shape_cast %get3A_271 : vector<32x1x128xf32> to vector<32x128xf32>
      %mul3A_273 = vector.broadcast %slice3A_267 : vector<32x1xf32> to vector<32x128xf32>
      %mul3A_274 = arith.mulf %get3A_272, %mul3A_273 : vector<32x128xf32>
      %sub3A_275 = arith.constant 1.000000e+00 : f32
      %sub3A_276 = vector.broadcast %sub3A_275 : f32 to vector<32x128xf32>
      %sub3A_277 = arith.subf %sub3A_276, %mul3A_274 : vector<32x128xf32>
      %mul3A_278 = arith.mulf %mul3A_266, %sub3A_277 : vector<32x128xf32>
      %slice3A_279 = vector.extract_strided_slice %mul3A_278 {offsets = [0, 17], sizes = [32, 1], strides = [1, 1]} : vector<32x128xf32> to vector<32x1xf32>
      %get3A_280 = arith.constant 0 : index
      %get3A_281 = arith.constant 17 : index
      %get3A_282 = arith.constant 0 : index
      %get3A_283 = vector.load %arg7[%get3A_280, %get3A_281, %get3A_282] : memref<32x128x128xf32, #tpu.memory_space<vmem>>, vector<32x1x128xf32>
      %get3A_284 = vector.shape_cast %get3A_283 : vector<32x1x128xf32> to vector<32x128xf32>
      %mul3A_285 = vector.broadcast %slice3A_279 : vector<32x1xf32> to vector<32x128xf32>
      %mul3A_286 = arith.mulf %get3A_284, %mul3A_285 : vector<32x128xf32>
      %sub3A_287 = arith.constant 1.000000e+00 : f32
      %sub3A_288 = vector.broadcast %sub3A_287 : f32 to vector<32x128xf32>
      %sub3A_289 = arith.subf %sub3A_288, %mul3A_286 : vector<32x128xf32>
      %mul3A_290 = arith.mulf %mul3A_278, %sub3A_289 : vector<32x128xf32>
      %slice3A_291 = vector.extract_strided_slice %mul3A_290 {offsets = [0, 18], sizes = [32, 1], strides = [1, 1]} : vector<32x128xf32> to vector<32x1xf32>
      %get3A_292 = arith.constant 0 : index
      %get3A_293 = arith.constant 18 : index
      %get3A_294 = arith.constant 0 : index
      %get3A_295 = vector.load %arg7[%get3A_292, %get3A_293, %get3A_294] : memref<32x128x128xf32, #tpu.memory_space<vmem>>, vector<32x1x128xf32>
      %get3A_296 = vector.shape_cast %get3A_295 : vector<32x1x128xf32> to vector<32x128xf32>
      %mul3A_297 = vector.broadcast %slice3A_291 : vector<32x1xf32> to vector<32x128xf32>
      %mul3A_298 = arith.mulf %get3A_296, %mul3A_297 : vector<32x128xf32>
      %sub3A_299 = arith.constant 1.000000e+00 : f32
      %sub3A_300 = vector.broadcast %sub3A_299 : f32 to vector<32x128xf32>
      %sub3A_301 = arith.subf %sub3A_300, %mul3A_298 : vector<32x128xf32>
      %mul3A_302 = arith.mulf %mul3A_290, %sub3A_301 : vector<32x128xf32>
      %slice3A_303 = vector.extract_strided_slice %mul3A_302 {offsets = [0, 19], sizes = [32, 1], strides = [1, 1]} : vector<32x128xf32> to vector<32x1xf32>
      %get3A_304 = arith.constant 0 : index
      %get3A_305 = arith.constant 19 : index
      %get3A_306 = arith.constant 0 : index
      %get3A_307 = vector.load %arg7[%get3A_304, %get3A_305, %get3A_306] : memref<32x128x128xf32, #tpu.memory_space<vmem>>, vector<32x1x128xf32>
      %get3A_308 = vector.shape_cast %get3A_307 : vector<32x1x128xf32> to vector<32x128xf32>
      %mul3A_309 = vector.broadcast %slice3A_303 : vector<32x1xf32> to vector<32x128xf32>
      %mul3A_310 = arith.mulf %get3A_308, %mul3A_309 : vector<32x128xf32>
      %sub3A_311 = arith.constant 1.000000e+00 : f32
      %sub3A_312 = vector.broadcast %sub3A_311 : f32 to vector<32x128xf32>
      %sub3A_313 = arith.subf %sub3A_312, %mul3A_310 : vector<32x128xf32>
      %mul3A_314 = arith.mulf %mul3A_302, %sub3A_313 : vector<32x128xf32>
      %slice3A_315 = vector.extract_strided_slice %mul3A_314 {offsets = [0, 20], sizes = [32, 1], strides = [1, 1]} : vector<32x128xf32> to vector<32x1xf32>
      %get3A_316 = arith.constant 0 : index
      %get3A_317 = arith.constant 20 : index
      %get3A_318 = arith.constant 0 : index
      %get3A_319 = vector.load %arg7[%get3A_316, %get3A_317, %get3A_318] : memref<32x128x128xf32, #tpu.memory_space<vmem>>, vector<32x1x128xf32>
      %get3A_320 = vector.shape_cast %get3A_319 : vector<32x1x128xf32> to vector<32x128xf32>
      %mul3A_321 = vector.broadcast %slice3A_315 : vector<32x1xf32> to vector<32x128xf32>
      %mul3A_322 = arith.mulf %get3A_320, %mul3A_321 : vector<32x128xf32>
      %sub3A_323 = arith.constant 1.000000e+00 : f32
      %sub3A_324 = vector.broadcast %sub3A_323 : f32 to vector<32x128xf32>
      %sub3A_325 = arith.subf %sub3A_324, %mul3A_322 : vector<32x128xf32>
      %mul3A_326 = arith.mulf %mul3A_314, %sub3A_325 : vector<32x128xf32>
      %slice3A_327 = vector.extract_strided_slice %mul3A_326 {offsets = [0, 21], sizes = [32, 1], strides = [1, 1]} : vector<32x128xf32> to vector<32x1xf32>
      %get3A_328 = arith.constant 0 : index
      %get3A_329 = arith.constant 21 : index
      %get3A_330 = arith.constant 0 : index
      %get3A_331 = vector.load %arg7[%get3A_328, %get3A_329, %get3A_330] : memref<32x128x128xf32, #tpu.memory_space<vmem>>, vector<32x1x128xf32>
      %get3A_332 = vector.shape_cast %get3A_331 : vector<32x1x128xf32> to vector<32x128xf32>
      %mul3A_333 = vector.broadcast %slice3A_327 : vector<32x1xf32> to vector<32x128xf32>
      %mul3A_334 = arith.mulf %get3A_332, %mul3A_333 : vector<32x128xf32>
      %sub3A_335 = arith.constant 1.000000e+00 : f32
      %sub3A_336 = vector.broadcast %sub3A_335 : f32 to vector<32x128xf32>
      %sub3A_337 = arith.subf %sub3A_336, %mul3A_334 : vector<32x128xf32>
      %mul3A_338 = arith.mulf %mul3A_326, %sub3A_337 : vector<32x128xf32>
      %slice3A_339 = vector.extract_strided_slice %mul3A_338 {offsets = [0, 22], sizes = [32, 1], strides = [1, 1]} : vector<32x128xf32> to vector<32x1xf32>
      %get3A_340 = arith.constant 0 : index
      %get3A_341 = arith.constant 22 : index
      %get3A_342 = arith.constant 0 : index
      %get3A_343 = vector.load %arg7[%get3A_340, %get3A_341, %get3A_342] : memref<32x128x128xf32, #tpu.memory_space<vmem>>, vector<32x1x128xf32>
      %get3A_344 = vector.shape_cast %get3A_343 : vector<32x1x128xf32> to vector<32x128xf32>
      %mul3A_345 = vector.broadcast %slice3A_339 : vector<32x1xf32> to vector<32x128xf32>
      %mul3A_346 = arith.mulf %get3A_344, %mul3A_345 : vector<32x128xf32>
      %sub3A_347 = arith.constant 1.000000e+00 : f32
      %sub3A_348 = vector.broadcast %sub3A_347 : f32 to vector<32x128xf32>
      %sub3A_349 = arith.subf %sub3A_348, %mul3A_346 : vector<32x128xf32>
      %mul3A_350 = arith.mulf %mul3A_338, %sub3A_349 : vector<32x128xf32>
      %slice3A_351 = vector.extract_strided_slice %mul3A_350 {offsets = [0, 23], sizes = [32, 1], strides = [1, 1]} : vector<32x128xf32> to vector<32x1xf32>
      %get3A_352 = arith.constant 0 : index
      %get3A_353 = arith.constant 23 : index
      %get3A_354 = arith.constant 0 : index
      %get3A_355 = vector.load %arg7[%get3A_352, %get3A_353, %get3A_354] : memref<32x128x128xf32, #tpu.memory_space<vmem>>, vector<32x1x128xf32>
      %get3A_356 = vector.shape_cast %get3A_355 : vector<32x1x128xf32> to vector<32x128xf32>
      %mul3A_357 = vector.broadcast %slice3A_351 : vector<32x1xf32> to vector<32x128xf32>
      %mul3A_358 = arith.mulf %get3A_356, %mul3A_357 : vector<32x128xf32>
      %sub3A_359 = arith.constant 1.000000e+00 : f32
      %sub3A_360 = vector.broadcast %sub3A_359 : f32 to vector<32x128xf32>
      %sub3A_361 = arith.subf %sub3A_360, %mul3A_358 : vector<32x128xf32>
      %mul3A_362 = arith.mulf %mul3A_350, %sub3A_361 : vector<32x128xf32>
      %slice3A_363 = vector.extract_strided_slice %mul3A_362 {offsets = [0, 24], sizes = [32, 1], strides = [1, 1]} : vector<32x128xf32> to vector<32x1xf32>
      %get3A_364 = arith.constant 0 : index
      %get3A_365 = arith.constant 24 : index
      %get3A_366 = arith.constant 0 : index
      %get3A_367 = vector.load %arg7[%get3A_364, %get3A_365, %get3A_366] : memref<32x128x128xf32, #tpu.memory_space<vmem>>, vector<32x1x128xf32>
      %get3A_368 = vector.shape_cast %get3A_367 : vector<32x1x128xf32> to vector<32x128xf32>
      %mul3A_369 = vector.broadcast %slice3A_363 : vector<32x1xf32> to vector<32x128xf32>
      %mul3A_370 = arith.mulf %get3A_368, %mul3A_369 : vector<32x128xf32>
      %sub3A_371 = arith.constant 1.000000e+00 : f32
      %sub3A_372 = vector.broadcast %sub3A_371 : f32 to vector<32x128xf32>
      %sub3A_373 = arith.subf %sub3A_372, %mul3A_370 : vector<32x128xf32>
      %mul3A_374 = arith.mulf %mul3A_362, %sub3A_373 : vector<32x128xf32>
      %slice3A_375 = vector.extract_strided_slice %mul3A_374 {offsets = [0, 25], sizes = [32, 1], strides = [1, 1]} : vector<32x128xf32> to vector<32x1xf32>
      %get3A_376 = arith.constant 0 : index
      %get3A_377 = arith.constant 25 : index
      %get3A_378 = arith.constant 0 : index
      %get3A_379 = vector.load %arg7[%get3A_376, %get3A_377, %get3A_378] : memref<32x128x128xf32, #tpu.memory_space<vmem>>, vector<32x1x128xf32>
      %get3A_380 = vector.shape_cast %get3A_379 : vector<32x1x128xf32> to vector<32x128xf32>
      %mul3A_381 = vector.broadcast %slice3A_375 : vector<32x1xf32> to vector<32x128xf32>
      %mul3A_382 = arith.mulf %get3A_380, %mul3A_381 : vector<32x128xf32>
      %sub3A_383 = arith.constant 1.000000e+00 : f32
      %sub3A_384 = vector.broadcast %sub3A_383 : f32 to vector<32x128xf32>
      %sub3A_385 = arith.subf %sub3A_384, %mul3A_382 : vector<32x128xf32>
      %mul3A_386 = arith.mulf %mul3A_374, %sub3A_385 : vector<32x128xf32>
      %slice3A_387 = vector.extract_strided_slice %mul3A_386 {offsets = [0, 26], sizes = [32, 1], strides = [1, 1]} : vector<32x128xf32> to vector<32x1xf32>
      %get3A_388 = arith.constant 0 : index
      %get3A_389 = arith.constant 26 : index
      %get3A_390 = arith.constant 0 : index
      %get3A_391 = vector.load %arg7[%get3A_388, %get3A_389, %get3A_390] : memref<32x128x128xf32, #tpu.memory_space<vmem>>, vector<32x1x128xf32>
      %get3A_392 = vector.shape_cast %get3A_391 : vector<32x1x128xf32> to vector<32x128xf32>
      %mul3A_393 = vector.broadcast %slice3A_387 : vector<32x1xf32> to vector<32x128xf32>
      %mul3A_394 = arith.mulf %get3A_392, %mul3A_393 : vector<32x128xf32>
      %sub3A_395 = arith.constant 1.000000e+00 : f32
      %sub3A_396 = vector.broadcast %sub3A_395 : f32 to vector<32x128xf32>
      %sub3A_397 = arith.subf %sub3A_396, %mul3A_394 : vector<32x128xf32>
      %mul3A_398 = arith.mulf %mul3A_386, %sub3A_397 : vector<32x128xf32>
      %slice3A_399 = vector.extract_strided_slice %mul3A_398 {offsets = [0, 27], sizes = [32, 1], strides = [1, 1]} : vector<32x128xf32> to vector<32x1xf32>
      %get3A_400 = arith.constant 0 : index
      %get3A_401 = arith.constant 27 : index
      %get3A_402 = arith.constant 0 : index
      %get3A_403 = vector.load %arg7[%get3A_400, %get3A_401, %get3A_402] : memref<32x128x128xf32, #tpu.memory_space<vmem>>, vector<32x1x128xf32>
      %get3A_404 = vector.shape_cast %get3A_403 : vector<32x1x128xf32> to vector<32x128xf32>
      %mul3A_405 = vector.broadcast %slice3A_399 : vector<32x1xf32> to vector<32x128xf32>
      %mul3A_406 = arith.mulf %get3A_404, %mul3A_405 : vector<32x128xf32>
      %sub3A_407 = arith.constant 1.000000e+00 : f32
      %sub3A_408 = vector.broadcast %sub3A_407 : f32 to vector<32x128xf32>
      %sub3A_409 = arith.subf %sub3A_408, %mul3A_406 : vector<32x128xf32>
      %mul3A_410 = arith.mulf %mul3A_398, %sub3A_409 : vector<32x128xf32>
      %slice3A_411 = vector.extract_strided_slice %mul3A_410 {offsets = [0, 28], sizes = [32, 1], strides = [1, 1]} : vector<32x128xf32> to vector<32x1xf32>
      %get3A_412 = arith.constant 0 : index
      %get3A_413 = arith.constant 28 : index
      %get3A_414 = arith.constant 0 : index
      %get3A_415 = vector.load %arg7[%get3A_412, %get3A_413, %get3A_414] : memref<32x128x128xf32, #tpu.memory_space<vmem>>, vector<32x1x128xf32>
      %get3A_416 = vector.shape_cast %get3A_415 : vector<32x1x128xf32> to vector<32x128xf32>
      %mul3A_417 = vector.broadcast %slice3A_411 : vector<32x1xf32> to vector<32x128xf32>
      %mul3A_418 = arith.mulf %get3A_416, %mul3A_417 : vector<32x128xf32>
      %sub3A_419 = arith.constant 1.000000e+00 : f32
      %sub3A_420 = vector.broadcast %sub3A_419 : f32 to vector<32x128xf32>
      %sub3A_421 = arith.subf %sub3A_420, %mul3A_418 : vector<32x128xf32>
      %mul3A_422 = arith.mulf %mul3A_410, %sub3A_421 : vector<32x128xf32>
      %slice3A_423 = vector.extract_strided_slice %mul3A_422 {offsets = [0, 29], sizes = [32, 1], strides = [1, 1]} : vector<32x128xf32> to vector<32x1xf32>
      %get3A_424 = arith.constant 0 : index
      %get3A_425 = arith.constant 29 : index
      %get3A_426 = arith.constant 0 : index
      %get3A_427 = vector.load %arg7[%get3A_424, %get3A_425, %get3A_426] : memref<32x128x128xf32, #tpu.memory_space<vmem>>, vector<32x1x128xf32>
      %get3A_428 = vector.shape_cast %get3A_427 : vector<32x1x128xf32> to vector<32x128xf32>
      %mul3A_429 = vector.broadcast %slice3A_423 : vector<32x1xf32> to vector<32x128xf32>
      %mul3A_430 = arith.mulf %get3A_428, %mul3A_429 : vector<32x128xf32>
      %sub3A_431 = arith.constant 1.000000e+00 : f32
      %sub3A_432 = vector.broadcast %sub3A_431 : f32 to vector<32x128xf32>
      %sub3A_433 = arith.subf %sub3A_432, %mul3A_430 : vector<32x128xf32>
      %mul3A_434 = arith.mulf %mul3A_422, %sub3A_433 : vector<32x128xf32>
      %slice3A_435 = vector.extract_strided_slice %mul3A_434 {offsets = [0, 30], sizes = [32, 1], strides = [1, 1]} : vector<32x128xf32> to vector<32x1xf32>
      %get3A_436 = arith.constant 0 : index
      %get3A_437 = arith.constant 30 : index
      %get3A_438 = arith.constant 0 : index
      %get3A_439 = vector.load %arg7[%get3A_436, %get3A_437, %get3A_438] : memref<32x128x128xf32, #tpu.memory_space<vmem>>, vector<32x1x128xf32>
      %get3A_440 = vector.shape_cast %get3A_439 : vector<32x1x128xf32> to vector<32x128xf32>
      %mul3A_441 = vector.broadcast %slice3A_435 : vector<32x1xf32> to vector<32x128xf32>
      %mul3A_442 = arith.mulf %get3A_440, %mul3A_441 : vector<32x128xf32>
      %sub3A_443 = arith.constant 1.000000e+00 : f32
      %sub3A_444 = vector.broadcast %sub3A_443 : f32 to vector<32x128xf32>
      %sub3A_445 = arith.subf %sub3A_444, %mul3A_442 : vector<32x128xf32>
      %mul3A_446 = arith.mulf %mul3A_434, %sub3A_445 : vector<32x128xf32>
      %slice3A_447 = vector.extract_strided_slice %mul3A_446 {offsets = [0, 31], sizes = [32, 1], strides = [1, 1]} : vector<32x128xf32> to vector<32x1xf32>
      %get3A_448 = arith.constant 0 : index
      %get3A_449 = arith.constant 31 : index
      %get3A_450 = arith.constant 0 : index
      %get3A_451 = vector.load %arg7[%get3A_448, %get3A_449, %get3A_450] : memref<32x128x128xf32, #tpu.memory_space<vmem>>, vector<32x1x128xf32>
      %get3A_452 = vector.shape_cast %get3A_451 : vector<32x1x128xf32> to vector<32x128xf32>
      %mul3A_453 = vector.broadcast %slice3A_447 : vector<32x1xf32> to vector<32x128xf32>
      %mul3A_454 = arith.mulf %get3A_452, %mul3A_453 : vector<32x128xf32>
      %sub3A_455 = arith.constant 1.000000e+00 : f32
      %sub3A_456 = vector.broadcast %sub3A_455 : f32 to vector<32x128xf32>
      %sub3A_457 = arith.subf %sub3A_456, %mul3A_454 : vector<32x128xf32>
      %mul3A_458 = arith.mulf %mul3A_446, %sub3A_457 : vector<32x128xf32>
      %slice3A_459 = vector.extract_strided_slice %mul3A_458 {offsets = [0, 32], sizes = [32, 1], strides = [1, 1]} : vector<32x128xf32> to vector<32x1xf32>
      %get3A_460 = arith.constant 0 : index
      %get3A_461 = arith.constant 32 : index
      %get3A_462 = arith.constant 0 : index
      %get3A_463 = vector.load %arg7[%get3A_460, %get3A_461, %get3A_462] : memref<32x128x128xf32, #tpu.memory_space<vmem>>, vector<32x1x128xf32>
      %get3A_464 = vector.shape_cast %get3A_463 : vector<32x1x128xf32> to vector<32x128xf32>
      %mul3A_465 = vector.broadcast %slice3A_459 : vector<32x1xf32> to vector<32x128xf32>
      %mul3A_466 = arith.mulf %get3A_464, %mul3A_465 : vector<32x128xf32>
      %sub3A_467 = arith.constant 1.000000e+00 : f32
      %sub3A_468 = vector.broadcast %sub3A_467 : f32 to vector<32x128xf32>
      %sub3A_469 = arith.subf %sub3A_468, %mul3A_466 : vector<32x128xf32>
      %mul3A_470 = arith.mulf %mul3A_458, %sub3A_469 : vector<32x128xf32>
      %slice3A_471 = vector.extract_strided_slice %mul3A_470 {offsets = [0, 33], sizes = [32, 1], strides = [1, 1]} : vector<32x128xf32> to vector<32x1xf32>
      %get3A_472 = arith.constant 0 : index
      %get3A_473 = arith.constant 33 : index
      %get3A_474 = arith.constant 0 : index
      %get3A_475 = vector.load %arg7[%get3A_472, %get3A_473, %get3A_474] : memref<32x128x128xf32, #tpu.memory_space<vmem>>, vector<32x1x128xf32>
      %get3A_476 = vector.shape_cast %get3A_475 : vector<32x1x128xf32> to vector<32x128xf32>
      %mul3A_477 = vector.broadcast %slice3A_471 : vector<32x1xf32> to vector<32x128xf32>
      %mul3A_478 = arith.mulf %get3A_476, %mul3A_477 : vector<32x128xf32>
      %sub3A_479 = arith.constant 1.000000e+00 : f32
      %sub3A_480 = vector.broadcast %sub3A_479 : f32 to vector<32x128xf32>
      %sub3A_481 = arith.subf %sub3A_480, %mul3A_478 : vector<32x128xf32>
      %mul3A_482 = arith.mulf %mul3A_470, %sub3A_481 : vector<32x128xf32>
      %slice3A_483 = vector.extract_strided_slice %mul3A_482 {offsets = [0, 34], sizes = [32, 1], strides = [1, 1]} : vector<32x128xf32> to vector<32x1xf32>
      %get3A_484 = arith.constant 0 : index
      %get3A_485 = arith.constant 34 : index
      %get3A_486 = arith.constant 0 : index
      %get3A_487 = vector.load %arg7[%get3A_484, %get3A_485, %get3A_486] : memref<32x128x128xf32, #tpu.memory_space<vmem>>, vector<32x1x128xf32>
      %get3A_488 = vector.shape_cast %get3A_487 : vector<32x1x128xf32> to vector<32x128xf32>
      %mul3A_489 = vector.broadcast %slice3A_483 : vector<32x1xf32> to vector<32x128xf32>
      %mul3A_490 = arith.mulf %get3A_488, %mul3A_489 : vector<32x128xf32>
      %sub3A_491 = arith.constant 1.000000e+00 : f32
      %sub3A_492 = vector.broadcast %sub3A_491 : f32 to vector<32x128xf32>
      %sub3A_493 = arith.subf %sub3A_492, %mul3A_490 : vector<32x128xf32>
      %mul3A_494 = arith.mulf %mul3A_482, %sub3A_493 : vector<32x128xf32>
      %slice3A_495 = vector.extract_strided_slice %mul3A_494 {offsets = [0, 35], sizes = [32, 1], strides = [1, 1]} : vector<32x128xf32> to vector<32x1xf32>
      %get3A_496 = arith.constant 0 : index
      %get3A_497 = arith.constant 35 : index
      %get3A_498 = arith.constant 0 : index
      %get3A_499 = vector.load %arg7[%get3A_496, %get3A_497, %get3A_498] : memref<32x128x128xf32, #tpu.memory_space<vmem>>, vector<32x1x128xf32>
      %get3A_500 = vector.shape_cast %get3A_499 : vector<32x1x128xf32> to vector<32x128xf32>
      %mul3A_501 = vector.broadcast %slice3A_495 : vector<32x1xf32> to vector<32x128xf32>
      %mul3A_502 = arith.mulf %get3A_500, %mul3A_501 : vector<32x128xf32>
      %sub3A_503 = arith.constant 1.000000e+00 : f32
      %sub3A_504 = vector.broadcast %sub3A_503 : f32 to vector<32x128xf32>
      %sub3A_505 = arith.subf %sub3A_504, %mul3A_502 : vector<32x128xf32>
      %mul3A_506 = arith.mulf %mul3A_494, %sub3A_505 : vector<32x128xf32>
      %slice3A_507 = vector.extract_strided_slice %mul3A_506 {offsets = [0, 36], sizes = [32, 1], strides = [1, 1]} : vector<32x128xf32> to vector<32x1xf32>
      %get3A_508 = arith.constant 0 : index
      %get3A_509 = arith.constant 36 : index
      %get3A_510 = arith.constant 0 : index
      %get3A_511 = vector.load %arg7[%get3A_508, %get3A_509, %get3A_510] : memref<32x128x128xf32, #tpu.memory_space<vmem>>, vector<32x1x128xf32>
      %get3A_512 = vector.shape_cast %get3A_511 : vector<32x1x128xf32> to vector<32x128xf32>
      %mul3A_513 = vector.broadcast %slice3A_507 : vector<32x1xf32> to vector<32x128xf32>
      %mul3A_514 = arith.mulf %get3A_512, %mul3A_513 : vector<32x128xf32>
      %sub3A_515 = arith.constant 1.000000e+00 : f32
      %sub3A_516 = vector.broadcast %sub3A_515 : f32 to vector<32x128xf32>
      %sub3A_517 = arith.subf %sub3A_516, %mul3A_514 : vector<32x128xf32>
      %mul3A_518 = arith.mulf %mul3A_506, %sub3A_517 : vector<32x128xf32>
      %slice3A_519 = vector.extract_strided_slice %mul3A_518 {offsets = [0, 37], sizes = [32, 1], strides = [1, 1]} : vector<32x128xf32> to vector<32x1xf32>
      %get3A_520 = arith.constant 0 : index
      %get3A_521 = arith.constant 37 : index
      %get3A_522 = arith.constant 0 : index
      %get3A_523 = vector.load %arg7[%get3A_520, %get3A_521, %get3A_522] : memref<32x128x128xf32, #tpu.memory_space<vmem>>, vector<32x1x128xf32>
      %get3A_524 = vector.shape_cast %get3A_523 : vector<32x1x128xf32> to vector<32x128xf32>
      %mul3A_525 = vector.broadcast %slice3A_519 : vector<32x1xf32> to vector<32x128xf32>
      %mul3A_526 = arith.mulf %get3A_524, %mul3A_525 : vector<32x128xf32>
      %sub3A_527 = arith.constant 1.000000e+00 : f32
      %sub3A_528 = vector.broadcast %sub3A_527 : f32 to vector<32x128xf32>
      %sub3A_529 = arith.subf %sub3A_528, %mul3A_526 : vector<32x128xf32>
      %mul3A_530 = arith.mulf %mul3A_518, %sub3A_529 : vector<32x128xf32>
      %slice3A_531 = vector.extract_strided_slice %mul3A_530 {offsets = [0, 38], sizes = [32, 1], strides = [1, 1]} : vector<32x128xf32> to vector<32x1xf32>
      %get3A_532 = arith.constant 0 : index
      %get3A_533 = arith.constant 38 : index
      %get3A_534 = arith.constant 0 : index
      %get3A_535 = vector.load %arg7[%get3A_532, %get3A_533, %get3A_534] : memref<32x128x128xf32, #tpu.memory_space<vmem>>, vector<32x1x128xf32>
      %get3A_536 = vector.shape_cast %get3A_535 : vector<32x1x128xf32> to vector<32x128xf32>
      %mul3A_537 = vector.broadcast %slice3A_531 : vector<32x1xf32> to vector<32x128xf32>
      %mul3A_538 = arith.mulf %get3A_536, %mul3A_537 : vector<32x128xf32>
      %sub3A_539 = arith.constant 1.000000e+00 : f32
      %sub3A_540 = vector.broadcast %sub3A_539 : f32 to vector<32x128xf32>
      %sub3A_541 = arith.subf %sub3A_540, %mul3A_538 : vector<32x128xf32>
      %mul3A_542 = arith.mulf %mul3A_530, %sub3A_541 : vector<32x128xf32>
      %slice3A_543 = vector.extract_strided_slice %mul3A_542 {offsets = [0, 39], sizes = [32, 1], strides = [1, 1]} : vector<32x128xf32> to vector<32x1xf32>
      %get3A_544 = arith.constant 0 : index
      %get3A_545 = arith.constant 39 : index
      %get3A_546 = arith.constant 0 : index
      %get3A_547 = vector.load %arg7[%get3A_544, %get3A_545, %get3A_546] : memref<32x128x128xf32, #tpu.memory_space<vmem>>, vector<32x1x128xf32>
      %get3A_548 = vector.shape_cast %get3A_547 : vector<32x1x128xf32> to vector<32x128xf32>
      %mul3A_549 = vector.broadcast %slice3A_543 : vector<32x1xf32> to vector<32x128xf32>
      %mul3A_550 = arith.mulf %get3A_548, %mul3A_549 : vector<32x128xf32>
      %sub3A_551 = arith.constant 1.000000e+00 : f32
      %sub3A_552 = vector.broadcast %sub3A_551 : f32 to vector<32x128xf32>
      %sub3A_553 = arith.subf %sub3A_552, %mul3A_550 : vector<32x128xf32>
      %mul3A_554 = arith.mulf %mul3A_542, %sub3A_553 : vector<32x128xf32>
      %slice3A_555 = vector.extract_strided_slice %mul3A_554 {offsets = [0, 40], sizes = [32, 1], strides = [1, 1]} : vector<32x128xf32> to vector<32x1xf32>
      %get3A_556 = arith.constant 0 : index
      %get3A_557 = arith.constant 40 : index
      %get3A_558 = arith.constant 0 : index
      %get3A_559 = vector.load %arg7[%get3A_556, %get3A_557, %get3A_558] : memref<32x128x128xf32, #tpu.memory_space<vmem>>, vector<32x1x128xf32>
      %get3A_560 = vector.shape_cast %get3A_559 : vector<32x1x128xf32> to vector<32x128xf32>
      %mul3A_561 = vector.broadcast %slice3A_555 : vector<32x1xf32> to vector<32x128xf32>
      %mul3A_562 = arith.mulf %get3A_560, %mul3A_561 : vector<32x128xf32>
      %sub3A_563 = arith.constant 1.000000e+00 : f32
      %sub3A_564 = vector.broadcast %sub3A_563 : f32 to vector<32x128xf32>
      %sub3A_565 = arith.subf %sub3A_564, %mul3A_562 : vector<32x128xf32>
      %mul3A_566 = arith.mulf %mul3A_554, %sub3A_565 : vector<32x128xf32>
      %slice3A_567 = vector.extract_strided_slice %mul3A_566 {offsets = [0, 41], sizes = [32, 1], strides = [1, 1]} : vector<32x128xf32> to vector<32x1xf32>
      %get3A_568 = arith.constant 0 : index
      %get3A_569 = arith.constant 41 : index
      %get3A_570 = arith.constant 0 : index
      %get3A_571 = vector.load %arg7[%get3A_568, %get3A_569, %get3A_570] : memref<32x128x128xf32, #tpu.memory_space<vmem>>, vector<32x1x128xf32>
      %get3A_572 = vector.shape_cast %get3A_571 : vector<32x1x128xf32> to vector<32x128xf32>
      %mul3A_573 = vector.broadcast %slice3A_567 : vector<32x1xf32> to vector<32x128xf32>
      %mul3A_574 = arith.mulf %get3A_572, %mul3A_573 : vector<32x128xf32>
      %sub3A_575 = arith.constant 1.000000e+00 : f32
      %sub3A_576 = vector.broadcast %sub3A_575 : f32 to vector<32x128xf32>
      %sub3A_577 = arith.subf %sub3A_576, %mul3A_574 : vector<32x128xf32>
      %mul3A_578 = arith.mulf %mul3A_566, %sub3A_577 : vector<32x128xf32>
      %slice3A_579 = vector.extract_strided_slice %mul3A_578 {offsets = [0, 42], sizes = [32, 1], strides = [1, 1]} : vector<32x128xf32> to vector<32x1xf32>
      %get3A_580 = arith.constant 0 : index
      %get3A_581 = arith.constant 42 : index
      %get3A_582 = arith.constant 0 : index
      %get3A_583 = vector.load %arg7[%get3A_580, %get3A_581, %get3A_582] : memref<32x128x128xf32, #tpu.memory_space<vmem>>, vector<32x1x128xf32>
      %get3A_584 = vector.shape_cast %get3A_583 : vector<32x1x128xf32> to vector<32x128xf32>
      %mul3A_585 = vector.broadcast %slice3A_579 : vector<32x1xf32> to vector<32x128xf32>
      %mul3A_586 = arith.mulf %get3A_584, %mul3A_585 : vector<32x128xf32>
      %sub3A_587 = arith.constant 1.000000e+00 : f32
      %sub3A_588 = vector.broadcast %sub3A_587 : f32 to vector<32x128xf32>
      %sub3A_589 = arith.subf %sub3A_588, %mul3A_586 : vector<32x128xf32>
      %mul3A_590 = arith.mulf %mul3A_578, %sub3A_589 : vector<32x128xf32>
      %slice3A_591 = vector.extract_strided_slice %mul3A_590 {offsets = [0, 43], sizes = [32, 1], strides = [1, 1]} : vector<32x128xf32> to vector<32x1xf32>
      %get3A_592 = arith.constant 0 : index
      %get3A_593 = arith.constant 43 : index
      %get3A_594 = arith.constant 0 : index
      %get3A_595 = vector.load %arg7[%get3A_592, %get3A_593, %get3A_594] : memref<32x128x128xf32, #tpu.memory_space<vmem>>, vector<32x1x128xf32>
      %get3A_596 = vector.shape_cast %get3A_595 : vector<32x1x128xf32> to vector<32x128xf32>
      %mul3A_597 = vector.broadcast %slice3A_591 : vector<32x1xf32> to vector<32x128xf32>
      %mul3A_598 = arith.mulf %get3A_596, %mul3A_597 : vector<32x128xf32>
      %sub3A_599 = arith.constant 1.000000e+00 : f32
      %sub3A_600 = vector.broadcast %sub3A_599 : f32 to vector<32x128xf32>
      %sub3A_601 = arith.subf %sub3A_600, %mul3A_598 : vector<32x128xf32>
      %mul3A_602 = arith.mulf %mul3A_590, %sub3A_601 : vector<32x128xf32>
      %slice3A_603 = vector.extract_strided_slice %mul3A_602 {offsets = [0, 44], sizes = [32, 1], strides = [1, 1]} : vector<32x128xf32> to vector<32x1xf32>
      %get3A_604 = arith.constant 0 : index
      %get3A_605 = arith.constant 44 : index
      %get3A_606 = arith.constant 0 : index
      %get3A_607 = vector.load %arg7[%get3A_604, %get3A_605, %get3A_606] : memref<32x128x128xf32, #tpu.memory_space<vmem>>, vector<32x1x128xf32>
      %get3A_608 = vector.shape_cast %get3A_607 : vector<32x1x128xf32> to vector<32x128xf32>
      %mul3A_609 = vector.broadcast %slice3A_603 : vector<32x1xf32> to vector<32x128xf32>
      %mul3A_610 = arith.mulf %get3A_608, %mul3A_609 : vector<32x128xf32>
      %sub3A_611 = arith.constant 1.000000e+00 : f32
      %sub3A_612 = vector.broadcast %sub3A_611 : f32 to vector<32x128xf32>
      %sub3A_613 = arith.subf %sub3A_612, %mul3A_610 : vector<32x128xf32>
      %mul3A_614 = arith.mulf %mul3A_602, %sub3A_613 : vector<32x128xf32>
      %slice3A_615 = vector.extract_strided_slice %mul3A_614 {offsets = [0, 45], sizes = [32, 1], strides = [1, 1]} : vector<32x128xf32> to vector<32x1xf32>
      %get3A_616 = arith.constant 0 : index
      %get3A_617 = arith.constant 45 : index
      %get3A_618 = arith.constant 0 : index
      %get3A_619 = vector.load %arg7[%get3A_616, %get3A_617, %get3A_618] : memref<32x128x128xf32, #tpu.memory_space<vmem>>, vector<32x1x128xf32>
      %get3A_620 = vector.shape_cast %get3A_619 : vector<32x1x128xf32> to vector<32x128xf32>
      %mul3A_621 = vector.broadcast %slice3A_615 : vector<32x1xf32> to vector<32x128xf32>
      %mul3A_622 = arith.mulf %get3A_620, %mul3A_621 : vector<32x128xf32>
      %sub3A_623 = arith.constant 1.000000e+00 : f32
      %sub3A_624 = vector.broadcast %sub3A_623 : f32 to vector<32x128xf32>
      %sub3A_625 = arith.subf %sub3A_624, %mul3A_622 : vector<32x128xf32>
      %mul3A_626 = arith.mulf %mul3A_614, %sub3A_625 : vector<32x128xf32>
      %slice3A_627 = vector.extract_strided_slice %mul3A_626 {offsets = [0, 46], sizes = [32, 1], strides = [1, 1]} : vector<32x128xf32> to vector<32x1xf32>
      %get3A_628 = arith.constant 0 : index
      %get3A_629 = arith.constant 46 : index
      %get3A_630 = arith.constant 0 : index
      %get3A_631 = vector.load %arg7[%get3A_628, %get3A_629, %get3A_630] : memref<32x128x128xf32, #tpu.memory_space<vmem>>, vector<32x1x128xf32>
      %get3A_632 = vector.shape_cast %get3A_631 : vector<32x1x128xf32> to vector<32x128xf32>
      %mul3A_633 = vector.broadcast %slice3A_627 : vector<32x1xf32> to vector<32x128xf32>
      %mul3A_634 = arith.mulf %get3A_632, %mul3A_633 : vector<32x128xf32>
      %sub3A_635 = arith.constant 1.000000e+00 : f32
      %sub3A_636 = vector.broadcast %sub3A_635 : f32 to vector<32x128xf32>
      %sub3A_637 = arith.subf %sub3A_636, %mul3A_634 : vector<32x128xf32>
      %mul3A_638 = arith.mulf %mul3A_626, %sub3A_637 : vector<32x128xf32>
      %slice3A_639 = vector.extract_strided_slice %mul3A_638 {offsets = [0, 47], sizes = [32, 1], strides = [1, 1]} : vector<32x128xf32> to vector<32x1xf32>
      %get3A_640 = arith.constant 0 : index
      %get3A_641 = arith.constant 47 : index
      %get3A_642 = arith.constant 0 : index
      %get3A_643 = vector.load %arg7[%get3A_640, %get3A_641, %get3A_642] : memref<32x128x128xf32, #tpu.memory_space<vmem>>, vector<32x1x128xf32>
      %get3A_644 = vector.shape_cast %get3A_643 : vector<32x1x128xf32> to vector<32x128xf32>
      %mul3A_645 = vector.broadcast %slice3A_639 : vector<32x1xf32> to vector<32x128xf32>
      %mul3A_646 = arith.mulf %get3A_644, %mul3A_645 : vector<32x128xf32>
      %sub3A_647 = arith.constant 1.000000e+00 : f32
      %sub3A_648 = vector.broadcast %sub3A_647 : f32 to vector<32x128xf32>
      %sub3A_649 = arith.subf %sub3A_648, %mul3A_646 : vector<32x128xf32>
      %mul3A_650 = arith.mulf %mul3A_638, %sub3A_649 : vector<32x128xf32>
      %slice3A_651 = vector.extract_strided_slice %mul3A_650 {offsets = [0, 48], sizes = [32, 1], strides = [1, 1]} : vector<32x128xf32> to vector<32x1xf32>
      %get3A_652 = arith.constant 0 : index
      %get3A_653 = arith.constant 48 : index
      %get3A_654 = arith.constant 0 : index
      %get3A_655 = vector.load %arg7[%get3A_652, %get3A_653, %get3A_654] : memref<32x128x128xf32, #tpu.memory_space<vmem>>, vector<32x1x128xf32>
      %get3A_656 = vector.shape_cast %get3A_655 : vector<32x1x128xf32> to vector<32x128xf32>
      %mul3A_657 = vector.broadcast %slice3A_651 : vector<32x1xf32> to vector<32x128xf32>
      %mul3A_658 = arith.mulf %get3A_656, %mul3A_657 : vector<32x128xf32>
      %sub3A_659 = arith.constant 1.000000e+00 : f32
      %sub3A_660 = vector.broadcast %sub3A_659 : f32 to vector<32x128xf32>
      %sub3A_661 = arith.subf %sub3A_660, %mul3A_658 : vector<32x128xf32>
      %mul3A_662 = arith.mulf %mul3A_650, %sub3A_661 : vector<32x128xf32>
      %slice3A_663 = vector.extract_strided_slice %mul3A_662 {offsets = [0, 49], sizes = [32, 1], strides = [1, 1]} : vector<32x128xf32> to vector<32x1xf32>
      %get3A_664 = arith.constant 0 : index
      %get3A_665 = arith.constant 49 : index
      %get3A_666 = arith.constant 0 : index
      %get3A_667 = vector.load %arg7[%get3A_664, %get3A_665, %get3A_666] : memref<32x128x128xf32, #tpu.memory_space<vmem>>, vector<32x1x128xf32>
      %get3A_668 = vector.shape_cast %get3A_667 : vector<32x1x128xf32> to vector<32x128xf32>
      %mul3A_669 = vector.broadcast %slice3A_663 : vector<32x1xf32> to vector<32x128xf32>
      %mul3A_670 = arith.mulf %get3A_668, %mul3A_669 : vector<32x128xf32>
      %sub3A_671 = arith.constant 1.000000e+00 : f32
      %sub3A_672 = vector.broadcast %sub3A_671 : f32 to vector<32x128xf32>
      %sub3A_673 = arith.subf %sub3A_672, %mul3A_670 : vector<32x128xf32>
      %mul3A_674 = arith.mulf %mul3A_662, %sub3A_673 : vector<32x128xf32>
      %slice3A_675 = vector.extract_strided_slice %mul3A_674 {offsets = [0, 50], sizes = [32, 1], strides = [1, 1]} : vector<32x128xf32> to vector<32x1xf32>
      %get3A_676 = arith.constant 0 : index
      %get3A_677 = arith.constant 50 : index
      %get3A_678 = arith.constant 0 : index
      %get3A_679 = vector.load %arg7[%get3A_676, %get3A_677, %get3A_678] : memref<32x128x128xf32, #tpu.memory_space<vmem>>, vector<32x1x128xf32>
      %get3A_680 = vector.shape_cast %get3A_679 : vector<32x1x128xf32> to vector<32x128xf32>
      %mul3A_681 = vector.broadcast %slice3A_675 : vector<32x1xf32> to vector<32x128xf32>
      %mul3A_682 = arith.mulf %get3A_680, %mul3A_681 : vector<32x128xf32>
      %sub3A_683 = arith.constant 1.000000e+00 : f32
      %sub3A_684 = vector.broadcast %sub3A_683 : f32 to vector<32x128xf32>
      %sub3A_685 = arith.subf %sub3A_684, %mul3A_682 : vector<32x128xf32>
      %mul3A_686 = arith.mulf %mul3A_674, %sub3A_685 : vector<32x128xf32>
      %slice3A_687 = vector.extract_strided_slice %mul3A_686 {offsets = [0, 51], sizes = [32, 1], strides = [1, 1]} : vector<32x128xf32> to vector<32x1xf32>
      %get3A_688 = arith.constant 0 : index
      %get3A_689 = arith.constant 51 : index
      %get3A_690 = arith.constant 0 : index
      %get3A_691 = vector.load %arg7[%get3A_688, %get3A_689, %get3A_690] : memref<32x128x128xf32, #tpu.memory_space<vmem>>, vector<32x1x128xf32>
      %get3A_692 = vector.shape_cast %get3A_691 : vector<32x1x128xf32> to vector<32x128xf32>
      %mul3A_693 = vector.broadcast %slice3A_687 : vector<32x1xf32> to vector<32x128xf32>
      %mul3A_694 = arith.mulf %get3A_692, %mul3A_693 : vector<32x128xf32>
      %sub3A_695 = arith.constant 1.000000e+00 : f32
      %sub3A_696 = vector.broadcast %sub3A_695 : f32 to vector<32x128xf32>
      %sub3A_697 = arith.subf %sub3A_696, %mul3A_694 : vector<32x128xf32>
      %mul3A_698 = arith.mulf %mul3A_686, %sub3A_697 : vector<32x128xf32>
      %slice3A_699 = vector.extract_strided_slice %mul3A_698 {offsets = [0, 52], sizes = [32, 1], strides = [1, 1]} : vector<32x128xf32> to vector<32x1xf32>
      %get3A_700 = arith.constant 0 : index
      %get3A_701 = arith.constant 52 : index
      %get3A_702 = arith.constant 0 : index
      %get3A_703 = vector.load %arg7[%get3A_700, %get3A_701, %get3A_702] : memref<32x128x128xf32, #tpu.memory_space<vmem>>, vector<32x1x128xf32>
      %get3A_704 = vector.shape_cast %get3A_703 : vector<32x1x128xf32> to vector<32x128xf32>
      %mul3A_705 = vector.broadcast %slice3A_699 : vector<32x1xf32> to vector<32x128xf32>
      %mul3A_706 = arith.mulf %get3A_704, %mul3A_705 : vector<32x128xf32>
      %sub3A_707 = arith.constant 1.000000e+00 : f32
      %sub3A_708 = vector.broadcast %sub3A_707 : f32 to vector<32x128xf32>
      %sub3A_709 = arith.subf %sub3A_708, %mul3A_706 : vector<32x128xf32>
      %mul3A_710 = arith.mulf %mul3A_698, %sub3A_709 : vector<32x128xf32>
      %slice3A_711 = vector.extract_strided_slice %mul3A_710 {offsets = [0, 53], sizes = [32, 1], strides = [1, 1]} : vector<32x128xf32> to vector<32x1xf32>
      %get3A_712 = arith.constant 0 : index
      %get3A_713 = arith.constant 53 : index
      %get3A_714 = arith.constant 0 : index
      %get3A_715 = vector.load %arg7[%get3A_712, %get3A_713, %get3A_714] : memref<32x128x128xf32, #tpu.memory_space<vmem>>, vector<32x1x128xf32>
      %get3A_716 = vector.shape_cast %get3A_715 : vector<32x1x128xf32> to vector<32x128xf32>
      %mul3A_717 = vector.broadcast %slice3A_711 : vector<32x1xf32> to vector<32x128xf32>
      %mul3A_718 = arith.mulf %get3A_716, %mul3A_717 : vector<32x128xf32>
      %sub3A_719 = arith.constant 1.000000e+00 : f32
      %sub3A_720 = vector.broadcast %sub3A_719 : f32 to vector<32x128xf32>
      %sub3A_721 = arith.subf %sub3A_720, %mul3A_718 : vector<32x128xf32>
      %mul3A_722 = arith.mulf %mul3A_710, %sub3A_721 : vector<32x128xf32>
      %slice3A_723 = vector.extract_strided_slice %mul3A_722 {offsets = [0, 54], sizes = [32, 1], strides = [1, 1]} : vector<32x128xf32> to vector<32x1xf32>
      %get3A_724 = arith.constant 0 : index
      %get3A_725 = arith.constant 54 : index
      %get3A_726 = arith.constant 0 : index
      %get3A_727 = vector.load %arg7[%get3A_724, %get3A_725, %get3A_726] : memref<32x128x128xf32, #tpu.memory_space<vmem>>, vector<32x1x128xf32>
      %get3A_728 = vector.shape_cast %get3A_727 : vector<32x1x128xf32> to vector<32x128xf32>
      %mul3A_729 = vector.broadcast %slice3A_723 : vector<32x1xf32> to vector<32x128xf32>
      %mul3A_730 = arith.mulf %get3A_728, %mul3A_729 : vector<32x128xf32>
      %sub3A_731 = arith.constant 1.000000e+00 : f32
      %sub3A_732 = vector.broadcast %sub3A_731 : f32 to vector<32x128xf32>
      %sub3A_733 = arith.subf %sub3A_732, %mul3A_730 : vector<32x128xf32>
      %mul3A_734 = arith.mulf %mul3A_722, %sub3A_733 : vector<32x128xf32>
      %slice3A_735 = vector.extract_strided_slice %mul3A_734 {offsets = [0, 55], sizes = [32, 1], strides = [1, 1]} : vector<32x128xf32> to vector<32x1xf32>
      %get3A_736 = arith.constant 0 : index
      %get3A_737 = arith.constant 55 : index
      %get3A_738 = arith.constant 0 : index
      %get3A_739 = vector.load %arg7[%get3A_736, %get3A_737, %get3A_738] : memref<32x128x128xf32, #tpu.memory_space<vmem>>, vector<32x1x128xf32>
      %get3A_740 = vector.shape_cast %get3A_739 : vector<32x1x128xf32> to vector<32x128xf32>
      %mul3A_741 = vector.broadcast %slice3A_735 : vector<32x1xf32> to vector<32x128xf32>
      %mul3A_742 = arith.mulf %get3A_740, %mul3A_741 : vector<32x128xf32>
      %sub3A_743 = arith.constant 1.000000e+00 : f32
      %sub3A_744 = vector.broadcast %sub3A_743 : f32 to vector<32x128xf32>
      %sub3A_745 = arith.subf %sub3A_744, %mul3A_742 : vector<32x128xf32>
      %mul3A_746 = arith.mulf %mul3A_734, %sub3A_745 : vector<32x128xf32>
      %slice3A_747 = vector.extract_strided_slice %mul3A_746 {offsets = [0, 56], sizes = [32, 1], strides = [1, 1]} : vector<32x128xf32> to vector<32x1xf32>
      %get3A_748 = arith.constant 0 : index
      %get3A_749 = arith.constant 56 : index
      %get3A_750 = arith.constant 0 : index
      %get3A_751 = vector.load %arg7[%get3A_748, %get3A_749, %get3A_750] : memref<32x128x128xf32, #tpu.memory_space<vmem>>, vector<32x1x128xf32>
      %get3A_752 = vector.shape_cast %get3A_751 : vector<32x1x128xf32> to vector<32x128xf32>
      %mul3A_753 = vector.broadcast %slice3A_747 : vector<32x1xf32> to vector<32x128xf32>
      %mul3A_754 = arith.mulf %get3A_752, %mul3A_753 : vector<32x128xf32>
      %sub3A_755 = arith.constant 1.000000e+00 : f32
      %sub3A_756 = vector.broadcast %sub3A_755 : f32 to vector<32x128xf32>
      %sub3A_757 = arith.subf %sub3A_756, %mul3A_754 : vector<32x128xf32>
      %mul3A_758 = arith.mulf %mul3A_746, %sub3A_757 : vector<32x128xf32>
      %slice3A_759 = vector.extract_strided_slice %mul3A_758 {offsets = [0, 57], sizes = [32, 1], strides = [1, 1]} : vector<32x128xf32> to vector<32x1xf32>
      %get3A_760 = arith.constant 0 : index
      %get3A_761 = arith.constant 57 : index
      %get3A_762 = arith.constant 0 : index
      %get3A_763 = vector.load %arg7[%get3A_760, %get3A_761, %get3A_762] : memref<32x128x128xf32, #tpu.memory_space<vmem>>, vector<32x1x128xf32>
      %get3A_764 = vector.shape_cast %get3A_763 : vector<32x1x128xf32> to vector<32x128xf32>
      %mul3A_765 = vector.broadcast %slice3A_759 : vector<32x1xf32> to vector<32x128xf32>
      %mul3A_766 = arith.mulf %get3A_764, %mul3A_765 : vector<32x128xf32>
      %sub3A_767 = arith.constant 1.000000e+00 : f32
      %sub3A_768 = vector.broadcast %sub3A_767 : f32 to vector<32x128xf32>
      %sub3A_769 = arith.subf %sub3A_768, %mul3A_766 : vector<32x128xf32>
      %mul3A_770 = arith.mulf %mul3A_758, %sub3A_769 : vector<32x128xf32>
      %slice3A_771 = vector.extract_strided_slice %mul3A_770 {offsets = [0, 58], sizes = [32, 1], strides = [1, 1]} : vector<32x128xf32> to vector<32x1xf32>
      %get3A_772 = arith.constant 0 : index
      %get3A_773 = arith.constant 58 : index
      %get3A_774 = arith.constant 0 : index
      %get3A_775 = vector.load %arg7[%get3A_772, %get3A_773, %get3A_774] : memref<32x128x128xf32, #tpu.memory_space<vmem>>, vector<32x1x128xf32>
      %get3A_776 = vector.shape_cast %get3A_775 : vector<32x1x128xf32> to vector<32x128xf32>
      %mul3A_777 = vector.broadcast %slice3A_771 : vector<32x1xf32> to vector<32x128xf32>
      %mul3A_778 = arith.mulf %get3A_776, %mul3A_777 : vector<32x128xf32>
      %sub3A_779 = arith.constant 1.000000e+00 : f32
      %sub3A_780 = vector.broadcast %sub3A_779 : f32 to vector<32x128xf32>
      %sub3A_781 = arith.subf %sub3A_780, %mul3A_778 : vector<32x128xf32>
      %mul3A_782 = arith.mulf %mul3A_770, %sub3A_781 : vector<32x128xf32>
      %slice3A_783 = vector.extract_strided_slice %mul3A_782 {offsets = [0, 59], sizes = [32, 1], strides = [1, 1]} : vector<32x128xf32> to vector<32x1xf32>
      %get3A_784 = arith.constant 0 : index
      %get3A_785 = arith.constant 59 : index
      %get3A_786 = arith.constant 0 : index
      %get3A_787 = vector.load %arg7[%get3A_784, %get3A_785, %get3A_786] : memref<32x128x128xf32, #tpu.memory_space<vmem>>, vector<32x1x128xf32>
      %get3A_788 = vector.shape_cast %get3A_787 : vector<32x1x128xf32> to vector<32x128xf32>
      %mul3A_789 = vector.broadcast %slice3A_783 : vector<32x1xf32> to vector<32x128xf32>
      %mul3A_790 = arith.mulf %get3A_788, %mul3A_789 : vector<32x128xf32>
      %sub3A_791 = arith.constant 1.000000e+00 : f32
      %sub3A_792 = vector.broadcast %sub3A_791 : f32 to vector<32x128xf32>
      %sub3A_793 = arith.subf %sub3A_792, %mul3A_790 : vector<32x128xf32>
      %mul3A_794 = arith.mulf %mul3A_782, %sub3A_793 : vector<32x128xf32>
      %slice3A_795 = vector.extract_strided_slice %mul3A_794 {offsets = [0, 60], sizes = [32, 1], strides = [1, 1]} : vector<32x128xf32> to vector<32x1xf32>
      %get3A_796 = arith.constant 0 : index
      %get3A_797 = arith.constant 60 : index
      %get3A_798 = arith.constant 0 : index
      %get3A_799 = vector.load %arg7[%get3A_796, %get3A_797, %get3A_798] : memref<32x128x128xf32, #tpu.memory_space<vmem>>, vector<32x1x128xf32>
      %get3A_800 = vector.shape_cast %get3A_799 : vector<32x1x128xf32> to vector<32x128xf32>
      %mul3A_801 = vector.broadcast %slice3A_795 : vector<32x1xf32> to vector<32x128xf32>
      %mul3A_802 = arith.mulf %get3A_800, %mul3A_801 : vector<32x128xf32>
      %sub3A_803 = arith.constant 1.000000e+00 : f32
      %sub3A_804 = vector.broadcast %sub3A_803 : f32 to vector<32x128xf32>
      %sub3A_805 = arith.subf %sub3A_804, %mul3A_802 : vector<32x128xf32>
      %mul3A_806 = arith.mulf %mul3A_794, %sub3A_805 : vector<32x128xf32>
      %slice3A_807 = vector.extract_strided_slice %mul3A_806 {offsets = [0, 61], sizes = [32, 1], strides = [1, 1]} : vector<32x128xf32> to vector<32x1xf32>
      %get3A_808 = arith.constant 0 : index
      %get3A_809 = arith.constant 61 : index
      %get3A_810 = arith.constant 0 : index
      %get3A_811 = vector.load %arg7[%get3A_808, %get3A_809, %get3A_810] : memref<32x128x128xf32, #tpu.memory_space<vmem>>, vector<32x1x128xf32>
      %get3A_812 = vector.shape_cast %get3A_811 : vector<32x1x128xf32> to vector<32x128xf32>
      %mul3A_813 = vector.broadcast %slice3A_807 : vector<32x1xf32> to vector<32x128xf32>
      %mul3A_814 = arith.mulf %get3A_812, %mul3A_813 : vector<32x128xf32>
      %sub3A_815 = arith.constant 1.000000e+00 : f32
      %sub3A_816 = vector.broadcast %sub3A_815 : f32 to vector<32x128xf32>
      %sub3A_817 = arith.subf %sub3A_816, %mul3A_814 : vector<32x128xf32>
      %mul3A_818 = arith.mulf %mul3A_806, %sub3A_817 : vector<32x128xf32>
      %slice3A_819 = vector.extract_strided_slice %mul3A_818 {offsets = [0, 62], sizes = [32, 1], strides = [1, 1]} : vector<32x128xf32> to vector<32x1xf32>
      %get3A_820 = arith.constant 0 : index
      %get3A_821 = arith.constant 62 : index
      %get3A_822 = arith.constant 0 : index
      %get3A_823 = vector.load %arg7[%get3A_820, %get3A_821, %get3A_822] : memref<32x128x128xf32, #tpu.memory_space<vmem>>, vector<32x1x128xf32>
      %get3A_824 = vector.shape_cast %get3A_823 : vector<32x1x128xf32> to vector<32x128xf32>
      %mul3A_825 = vector.broadcast %slice3A_819 : vector<32x1xf32> to vector<32x128xf32>
      %mul3A_826 = arith.mulf %get3A_824, %mul3A_825 : vector<32x128xf32>
      %sub3A_827 = arith.constant 1.000000e+00 : f32
      %sub3A_828 = vector.broadcast %sub3A_827 : f32 to vector<32x128xf32>
      %sub3A_829 = arith.subf %sub3A_828, %mul3A_826 : vector<32x128xf32>
      %mul3A_830 = arith.mulf %mul3A_818, %sub3A_829 : vector<32x128xf32>
      %slice3A_831 = vector.extract_strided_slice %mul3A_830 {offsets = [0, 63], sizes = [32, 1], strides = [1, 1]} : vector<32x128xf32> to vector<32x1xf32>
      %get3A_832 = arith.constant 0 : index
      %get3A_833 = arith.constant 63 : index
      %get3A_834 = arith.constant 0 : index
      %get3A_835 = vector.load %arg7[%get3A_832, %get3A_833, %get3A_834] : memref<32x128x128xf32, #tpu.memory_space<vmem>>, vector<32x1x128xf32>
      %get3A_836 = vector.shape_cast %get3A_835 : vector<32x1x128xf32> to vector<32x128xf32>
      %mul3A_837 = vector.broadcast %slice3A_831 : vector<32x1xf32> to vector<32x128xf32>
      %mul3A_838 = arith.mulf %get3A_836, %mul3A_837 : vector<32x128xf32>
      %sub3A_839 = arith.constant 1.000000e+00 : f32
      %sub3A_840 = vector.broadcast %sub3A_839 : f32 to vector<32x128xf32>
      %sub3A_841 = arith.subf %sub3A_840, %mul3A_838 : vector<32x128xf32>
      %mul3A_842 = arith.mulf %mul3A_830, %sub3A_841 : vector<32x128xf32>
      %slice3A_843 = vector.extract_strided_slice %mul3A_842 {offsets = [0, 64], sizes = [32, 1], strides = [1, 1]} : vector<32x128xf32> to vector<32x1xf32>
      %get3A_844 = arith.constant 0 : index
      %get3A_845 = arith.constant 64 : index
      %get3A_846 = arith.constant 0 : index
      %get3A_847 = vector.load %arg7[%get3A_844, %get3A_845, %get3A_846] : memref<32x128x128xf32, #tpu.memory_space<vmem>>, vector<32x1x128xf32>
      %get3A_848 = vector.shape_cast %get3A_847 : vector<32x1x128xf32> to vector<32x128xf32>
      %mul3A_849 = vector.broadcast %slice3A_843 : vector<32x1xf32> to vector<32x128xf32>
      %mul3A_850 = arith.mulf %get3A_848, %mul3A_849 : vector<32x128xf32>
      %sub3A_851 = arith.constant 1.000000e+00 : f32
      %sub3A_852 = vector.broadcast %sub3A_851 : f32 to vector<32x128xf32>
      %sub3A_853 = arith.subf %sub3A_852, %mul3A_850 : vector<32x128xf32>
      %mul3A_854 = arith.mulf %mul3A_842, %sub3A_853 : vector<32x128xf32>
      %slice3A_855 = vector.extract_strided_slice %mul3A_854 {offsets = [0, 65], sizes = [32, 1], strides = [1, 1]} : vector<32x128xf32> to vector<32x1xf32>
      %get3A_856 = arith.constant 0 : index
      %get3A_857 = arith.constant 65 : index
      %get3A_858 = arith.constant 0 : index
      %get3A_859 = vector.load %arg7[%get3A_856, %get3A_857, %get3A_858] : memref<32x128x128xf32, #tpu.memory_space<vmem>>, vector<32x1x128xf32>
      %get3A_860 = vector.shape_cast %get3A_859 : vector<32x1x128xf32> to vector<32x128xf32>
      %mul3A_861 = vector.broadcast %slice3A_855 : vector<32x1xf32> to vector<32x128xf32>
      %mul3A_862 = arith.mulf %get3A_860, %mul3A_861 : vector<32x128xf32>
      %sub3A_863 = arith.constant 1.000000e+00 : f32
      %sub3A_864 = vector.broadcast %sub3A_863 : f32 to vector<32x128xf32>
      %sub3A_865 = arith.subf %sub3A_864, %mul3A_862 : vector<32x128xf32>
      %mul3A_866 = arith.mulf %mul3A_854, %sub3A_865 : vector<32x128xf32>
      %slice3A_867 = vector.extract_strided_slice %mul3A_866 {offsets = [0, 66], sizes = [32, 1], strides = [1, 1]} : vector<32x128xf32> to vector<32x1xf32>
      %get3A_868 = arith.constant 0 : index
      %get3A_869 = arith.constant 66 : index
      %get3A_870 = arith.constant 0 : index
      %get3A_871 = vector.load %arg7[%get3A_868, %get3A_869, %get3A_870] : memref<32x128x128xf32, #tpu.memory_space<vmem>>, vector<32x1x128xf32>
      %get3A_872 = vector.shape_cast %get3A_871 : vector<32x1x128xf32> to vector<32x128xf32>
      %mul3A_873 = vector.broadcast %slice3A_867 : vector<32x1xf32> to vector<32x128xf32>
      %mul3A_874 = arith.mulf %get3A_872, %mul3A_873 : vector<32x128xf32>
      %sub3A_875 = arith.constant 1.000000e+00 : f32
      %sub3A_876 = vector.broadcast %sub3A_875 : f32 to vector<32x128xf32>
      %sub3A_877 = arith.subf %sub3A_876, %mul3A_874 : vector<32x128xf32>
      %mul3A_878 = arith.mulf %mul3A_866, %sub3A_877 : vector<32x128xf32>
      %slice3A_879 = vector.extract_strided_slice %mul3A_878 {offsets = [0, 67], sizes = [32, 1], strides = [1, 1]} : vector<32x128xf32> to vector<32x1xf32>
      %get3A_880 = arith.constant 0 : index
      %get3A_881 = arith.constant 67 : index
      %get3A_882 = arith.constant 0 : index
      %get3A_883 = vector.load %arg7[%get3A_880, %get3A_881, %get3A_882] : memref<32x128x128xf32, #tpu.memory_space<vmem>>, vector<32x1x128xf32>
      %get3A_884 = vector.shape_cast %get3A_883 : vector<32x1x128xf32> to vector<32x128xf32>
      %mul3A_885 = vector.broadcast %slice3A_879 : vector<32x1xf32> to vector<32x128xf32>
      %mul3A_886 = arith.mulf %get3A_884, %mul3A_885 : vector<32x128xf32>
      %sub3A_887 = arith.constant 1.000000e+00 : f32
      %sub3A_888 = vector.broadcast %sub3A_887 : f32 to vector<32x128xf32>
      %sub3A_889 = arith.subf %sub3A_888, %mul3A_886 : vector<32x128xf32>
      %mul3A_890 = arith.mulf %mul3A_878, %sub3A_889 : vector<32x128xf32>
      %slice3A_891 = vector.extract_strided_slice %mul3A_890 {offsets = [0, 68], sizes = [32, 1], strides = [1, 1]} : vector<32x128xf32> to vector<32x1xf32>
      %get3A_892 = arith.constant 0 : index
      %get3A_893 = arith.constant 68 : index
      %get3A_894 = arith.constant 0 : index
      %get3A_895 = vector.load %arg7[%get3A_892, %get3A_893, %get3A_894] : memref<32x128x128xf32, #tpu.memory_space<vmem>>, vector<32x1x128xf32>
      %get3A_896 = vector.shape_cast %get3A_895 : vector<32x1x128xf32> to vector<32x128xf32>
      %mul3A_897 = vector.broadcast %slice3A_891 : vector<32x1xf32> to vector<32x128xf32>
      %mul3A_898 = arith.mulf %get3A_896, %mul3A_897 : vector<32x128xf32>
      %sub3A_899 = arith.constant 1.000000e+00 : f32
      %sub3A_900 = vector.broadcast %sub3A_899 : f32 to vector<32x128xf32>
      %sub3A_901 = arith.subf %sub3A_900, %mul3A_898 : vector<32x128xf32>
      %mul3A_902 = arith.mulf %mul3A_890, %sub3A_901 : vector<32x128xf32>
      %slice3A_903 = vector.extract_strided_slice %mul3A_902 {offsets = [0, 69], sizes = [32, 1], strides = [1, 1]} : vector<32x128xf32> to vector<32x1xf32>
      %get3A_904 = arith.constant 0 : index
      %get3A_905 = arith.constant 69 : index
      %get3A_906 = arith.constant 0 : index
      %get3A_907 = vector.load %arg7[%get3A_904, %get3A_905, %get3A_906] : memref<32x128x128xf32, #tpu.memory_space<vmem>>, vector<32x1x128xf32>
      %get3A_908 = vector.shape_cast %get3A_907 : vector<32x1x128xf32> to vector<32x128xf32>
      %mul3A_909 = vector.broadcast %slice3A_903 : vector<32x1xf32> to vector<32x128xf32>
      %mul3A_910 = arith.mulf %get3A_908, %mul3A_909 : vector<32x128xf32>
      %sub3A_911 = arith.constant 1.000000e+00 : f32
      %sub3A_912 = vector.broadcast %sub3A_911 : f32 to vector<32x128xf32>
      %sub3A_913 = arith.subf %sub3A_912, %mul3A_910 : vector<32x128xf32>
      %mul3A_914 = arith.mulf %mul3A_902, %sub3A_913 : vector<32x128xf32>
      %slice3A_915 = vector.extract_strided_slice %mul3A_914 {offsets = [0, 70], sizes = [32, 1], strides = [1, 1]} : vector<32x128xf32> to vector<32x1xf32>
      %get3A_916 = arith.constant 0 : index
      %get3A_917 = arith.constant 70 : index
      %get3A_918 = arith.constant 0 : index
      %get3A_919 = vector.load %arg7[%get3A_916, %get3A_917, %get3A_918] : memref<32x128x128xf32, #tpu.memory_space<vmem>>, vector<32x1x128xf32>
      %get3A_920 = vector.shape_cast %get3A_919 : vector<32x1x128xf32> to vector<32x128xf32>
      %mul3A_921 = vector.broadcast %slice3A_915 : vector<32x1xf32> to vector<32x128xf32>
      %mul3A_922 = arith.mulf %get3A_920, %mul3A_921 : vector<32x128xf32>
      %sub3A_923 = arith.constant 1.000000e+00 : f32
      %sub3A_924 = vector.broadcast %sub3A_923 : f32 to vector<32x128xf32>
      %sub3A_925 = arith.subf %sub3A_924, %mul3A_922 : vector<32x128xf32>
      %mul3A_926 = arith.mulf %mul3A_914, %sub3A_925 : vector<32x128xf32>
      %slice3A_927 = vector.extract_strided_slice %mul3A_926 {offsets = [0, 71], sizes = [32, 1], strides = [1, 1]} : vector<32x128xf32> to vector<32x1xf32>
      %get3A_928 = arith.constant 0 : index
      %get3A_929 = arith.constant 71 : index
      %get3A_930 = arith.constant 0 : index
      %get3A_931 = vector.load %arg7[%get3A_928, %get3A_929, %get3A_930] : memref<32x128x128xf32, #tpu.memory_space<vmem>>, vector<32x1x128xf32>
      %get3A_932 = vector.shape_cast %get3A_931 : vector<32x1x128xf32> to vector<32x128xf32>
      %mul3A_933 = vector.broadcast %slice3A_927 : vector<32x1xf32> to vector<32x128xf32>
      %mul3A_934 = arith.mulf %get3A_932, %mul3A_933 : vector<32x128xf32>
      %sub3A_935 = arith.constant 1.000000e+00 : f32
      %sub3A_936 = vector.broadcast %sub3A_935 : f32 to vector<32x128xf32>
      %sub3A_937 = arith.subf %sub3A_936, %mul3A_934 : vector<32x128xf32>
      %mul3A_938 = arith.mulf %mul3A_926, %sub3A_937 : vector<32x128xf32>
      %slice3A_939 = vector.extract_strided_slice %mul3A_938 {offsets = [0, 72], sizes = [32, 1], strides = [1, 1]} : vector<32x128xf32> to vector<32x1xf32>
      %get3A_940 = arith.constant 0 : index
      %get3A_941 = arith.constant 72 : index
      %get3A_942 = arith.constant 0 : index
      %get3A_943 = vector.load %arg7[%get3A_940, %get3A_941, %get3A_942] : memref<32x128x128xf32, #tpu.memory_space<vmem>>, vector<32x1x128xf32>
      %get3A_944 = vector.shape_cast %get3A_943 : vector<32x1x128xf32> to vector<32x128xf32>
      %mul3A_945 = vector.broadcast %slice3A_939 : vector<32x1xf32> to vector<32x128xf32>
      %mul3A_946 = arith.mulf %get3A_944, %mul3A_945 : vector<32x128xf32>
      %sub3A_947 = arith.constant 1.000000e+00 : f32
      %sub3A_948 = vector.broadcast %sub3A_947 : f32 to vector<32x128xf32>
      %sub3A_949 = arith.subf %sub3A_948, %mul3A_946 : vector<32x128xf32>
      %mul3A_950 = arith.mulf %mul3A_938, %sub3A_949 : vector<32x128xf32>
      %slice3A_951 = vector.extract_strided_slice %mul3A_950 {offsets = [0, 73], sizes = [32, 1], strides = [1, 1]} : vector<32x128xf32> to vector<32x1xf32>
      %get3A_952 = arith.constant 0 : index
      %get3A_953 = arith.constant 73 : index
      %get3A_954 = arith.constant 0 : index
      %get3A_955 = vector.load %arg7[%get3A_952, %get3A_953, %get3A_954] : memref<32x128x128xf32, #tpu.memory_space<vmem>>, vector<32x1x128xf32>
      %get3A_956 = vector.shape_cast %get3A_955 : vector<32x1x128xf32> to vector<32x128xf32>
      %mul3A_957 = vector.broadcast %slice3A_951 : vector<32x1xf32> to vector<32x128xf32>
      %mul3A_958 = arith.mulf %get3A_956, %mul3A_957 : vector<32x128xf32>
      %sub3A_959 = arith.constant 1.000000e+00 : f32
      %sub3A_960 = vector.broadcast %sub3A_959 : f32 to vector<32x128xf32>
      %sub3A_961 = arith.subf %sub3A_960, %mul3A_958 : vector<32x128xf32>
      %mul3A_962 = arith.mulf %mul3A_950, %sub3A_961 : vector<32x128xf32>
      %slice3A_963 = vector.extract_strided_slice %mul3A_962 {offsets = [0, 74], sizes = [32, 1], strides = [1, 1]} : vector<32x128xf32> to vector<32x1xf32>
      %get3A_964 = arith.constant 0 : index
      %get3A_965 = arith.constant 74 : index
      %get3A_966 = arith.constant 0 : index
      %get3A_967 = vector.load %arg7[%get3A_964, %get3A_965, %get3A_966] : memref<32x128x128xf32, #tpu.memory_space<vmem>>, vector<32x1x128xf32>
      %get3A_968 = vector.shape_cast %get3A_967 : vector<32x1x128xf32> to vector<32x128xf32>
      %mul3A_969 = vector.broadcast %slice3A_963 : vector<32x1xf32> to vector<32x128xf32>
      %mul3A_970 = arith.mulf %get3A_968, %mul3A_969 : vector<32x128xf32>
      %sub3A_971 = arith.constant 1.000000e+00 : f32
      %sub3A_972 = vector.broadcast %sub3A_971 : f32 to vector<32x128xf32>
      %sub3A_973 = arith.subf %sub3A_972, %mul3A_970 : vector<32x128xf32>
      %mul3A_974 = arith.mulf %mul3A_962, %sub3A_973 : vector<32x128xf32>
      %slice3A_975 = vector.extract_strided_slice %mul3A_974 {offsets = [0, 75], sizes = [32, 1], strides = [1, 1]} : vector<32x128xf32> to vector<32x1xf32>
      %get3A_976 = arith.constant 0 : index
      %get3A_977 = arith.constant 75 : index
      %get3A_978 = arith.constant 0 : index
      %get3A_979 = vector.load %arg7[%get3A_976, %get3A_977, %get3A_978] : memref<32x128x128xf32, #tpu.memory_space<vmem>>, vector<32x1x128xf32>
      %get3A_980 = vector.shape_cast %get3A_979 : vector<32x1x128xf32> to vector<32x128xf32>
      %mul3A_981 = vector.broadcast %slice3A_975 : vector<32x1xf32> to vector<32x128xf32>
      %mul3A_982 = arith.mulf %get3A_980, %mul3A_981 : vector<32x128xf32>
      %sub3A_983 = arith.constant 1.000000e+00 : f32
      %sub3A_984 = vector.broadcast %sub3A_983 : f32 to vector<32x128xf32>
      %sub3A_985 = arith.subf %sub3A_984, %mul3A_982 : vector<32x128xf32>
      %mul3A_986 = arith.mulf %mul3A_974, %sub3A_985 : vector<32x128xf32>
      %slice3A_987 = vector.extract_strided_slice %mul3A_986 {offsets = [0, 76], sizes = [32, 1], strides = [1, 1]} : vector<32x128xf32> to vector<32x1xf32>
      %get3A_988 = arith.constant 0 : index
      %get3A_989 = arith.constant 76 : index
      %get3A_990 = arith.constant 0 : index
      %get3A_991 = vector.load %arg7[%get3A_988, %get3A_989, %get3A_990] : memref<32x128x128xf32, #tpu.memory_space<vmem>>, vector<32x1x128xf32>
      %get3A_992 = vector.shape_cast %get3A_991 : vector<32x1x128xf32> to vector<32x128xf32>
      %mul3A_993 = vector.broadcast %slice3A_987 : vector<32x1xf32> to vector<32x128xf32>
      %mul3A_994 = arith.mulf %get3A_992, %mul3A_993 : vector<32x128xf32>
      %sub3A_995 = arith.constant 1.000000e+00 : f32
      %sub3A_996 = vector.broadcast %sub3A_995 : f32 to vector<32x128xf32>
      %sub3A_997 = arith.subf %sub3A_996, %mul3A_994 : vector<32x128xf32>
      %mul3A_998 = arith.mulf %mul3A_986, %sub3A_997 : vector<32x128xf32>
      %slice3A_999 = vector.extract_strided_slice %mul3A_998 {offsets = [0, 77], sizes = [32, 1], strides = [1, 1]} : vector<32x128xf32> to vector<32x1xf32>
      %get3A_1000 = arith.constant 0 : index
      %get3A_1001 = arith.constant 77 : index
      %get3A_1002 = arith.constant 0 : index
      %get3A_1003 = vector.load %arg7[%get3A_1000, %get3A_1001, %get3A_1002] : memref<32x128x128xf32, #tpu.memory_space<vmem>>, vector<32x1x128xf32>
      %get3A_1004 = vector.shape_cast %get3A_1003 : vector<32x1x128xf32> to vector<32x128xf32>
      %mul3A_1005 = vector.broadcast %slice3A_999 : vector<32x1xf32> to vector<32x128xf32>
      %mul3A_1006 = arith.mulf %get3A_1004, %mul3A_1005 : vector<32x128xf32>
      %sub3A_1007 = arith.constant 1.000000e+00 : f32
      %sub3A_1008 = vector.broadcast %sub3A_1007 : f32 to vector<32x128xf32>
      %sub3A_1009 = arith.subf %sub3A_1008, %mul3A_1006 : vector<32x128xf32>
      %mul3A_1010 = arith.mulf %mul3A_998, %sub3A_1009 : vector<32x128xf32>
      %slice3A_1011 = vector.extract_strided_slice %mul3A_1010 {offsets = [0, 78], sizes = [32, 1], strides = [1, 1]} : vector<32x128xf32> to vector<32x1xf32>
      %get3A_1012 = arith.constant 0 : index
      %get3A_1013 = arith.constant 78 : index
      %get3A_1014 = arith.constant 0 : index
      %get3A_1015 = vector.load %arg7[%get3A_1012, %get3A_1013, %get3A_1014] : memref<32x128x128xf32, #tpu.memory_space<vmem>>, vector<32x1x128xf32>
      %get3A_1016 = vector.shape_cast %get3A_1015 : vector<32x1x128xf32> to vector<32x128xf32>
      %mul3A_1017 = vector.broadcast %slice3A_1011 : vector<32x1xf32> to vector<32x128xf32>
      %mul3A_1018 = arith.mulf %get3A_1016, %mul3A_1017 : vector<32x128xf32>
      %sub3A_1019 = arith.constant 1.000000e+00 : f32
      %sub3A_1020 = vector.broadcast %sub3A_1019 : f32 to vector<32x128xf32>
      %sub3A_1021 = arith.subf %sub3A_1020, %mul3A_1018 : vector<32x128xf32>
      %mul3A_1022 = arith.mulf %mul3A_1010, %sub3A_1021 : vector<32x128xf32>
      %slice3A_1023 = vector.extract_strided_slice %mul3A_1022 {offsets = [0, 79], sizes = [32, 1], strides = [1, 1]} : vector<32x128xf32> to vector<32x1xf32>
      %get3A_1024 = arith.constant 0 : index
      %get3A_1025 = arith.constant 79 : index
      %get3A_1026 = arith.constant 0 : index
      %get3A_1027 = vector.load %arg7[%get3A_1024, %get3A_1025, %get3A_1026] : memref<32x128x128xf32, #tpu.memory_space<vmem>>, vector<32x1x128xf32>
      %get3A_1028 = vector.shape_cast %get3A_1027 : vector<32x1x128xf32> to vector<32x128xf32>
      %mul3A_1029 = vector.broadcast %slice3A_1023 : vector<32x1xf32> to vector<32x128xf32>
      %mul3A_1030 = arith.mulf %get3A_1028, %mul3A_1029 : vector<32x128xf32>
      %sub3A_1031 = arith.constant 1.000000e+00 : f32
      %sub3A_1032 = vector.broadcast %sub3A_1031 : f32 to vector<32x128xf32>
      %sub3A_1033 = arith.subf %sub3A_1032, %mul3A_1030 : vector<32x128xf32>
      %mul3A_1034 = arith.mulf %mul3A_1022, %sub3A_1033 : vector<32x128xf32>
      %slice3A_1035 = vector.extract_strided_slice %mul3A_1034 {offsets = [0, 80], sizes = [32, 1], strides = [1, 1]} : vector<32x128xf32> to vector<32x1xf32>
      %get3A_1036 = arith.constant 0 : index
      %get3A_1037 = arith.constant 80 : index
      %get3A_1038 = arith.constant 0 : index
      %get3A_1039 = vector.load %arg7[%get3A_1036, %get3A_1037, %get3A_1038] : memref<32x128x128xf32, #tpu.memory_space<vmem>>, vector<32x1x128xf32>
      %get3A_1040 = vector.shape_cast %get3A_1039 : vector<32x1x128xf32> to vector<32x128xf32>
      %mul3A_1041 = vector.broadcast %slice3A_1035 : vector<32x1xf32> to vector<32x128xf32>
      %mul3A_1042 = arith.mulf %get3A_1040, %mul3A_1041 : vector<32x128xf32>
      %sub3A_1043 = arith.constant 1.000000e+00 : f32
      %sub3A_1044 = vector.broadcast %sub3A_1043 : f32 to vector<32x128xf32>
      %sub3A_1045 = arith.subf %sub3A_1044, %mul3A_1042 : vector<32x128xf32>
      %mul3A_1046 = arith.mulf %mul3A_1034, %sub3A_1045 : vector<32x128xf32>
      %slice3A_1047 = vector.extract_strided_slice %mul3A_1046 {offsets = [0, 81], sizes = [32, 1], strides = [1, 1]} : vector<32x128xf32> to vector<32x1xf32>
      %get3A_1048 = arith.constant 0 : index
      %get3A_1049 = arith.constant 81 : index
      %get3A_1050 = arith.constant 0 : index
      %get3A_1051 = vector.load %arg7[%get3A_1048, %get3A_1049, %get3A_1050] : memref<32x128x128xf32, #tpu.memory_space<vmem>>, vector<32x1x128xf32>
      %get3A_1052 = vector.shape_cast %get3A_1051 : vector<32x1x128xf32> to vector<32x128xf32>
      %mul3A_1053 = vector.broadcast %slice3A_1047 : vector<32x1xf32> to vector<32x128xf32>
      %mul3A_1054 = arith.mulf %get3A_1052, %mul3A_1053 : vector<32x128xf32>
      %sub3A_1055 = arith.constant 1.000000e+00 : f32
      %sub3A_1056 = vector.broadcast %sub3A_1055 : f32 to vector<32x128xf32>
      %sub3A_1057 = arith.subf %sub3A_1056, %mul3A_1054 : vector<32x128xf32>
      %mul3A_1058 = arith.mulf %mul3A_1046, %sub3A_1057 : vector<32x128xf32>
      %slice3A_1059 = vector.extract_strided_slice %mul3A_1058 {offsets = [0, 82], sizes = [32, 1], strides = [1, 1]} : vector<32x128xf32> to vector<32x1xf32>
      %get3A_1060 = arith.constant 0 : index
      %get3A_1061 = arith.constant 82 : index
      %get3A_1062 = arith.constant 0 : index
      %get3A_1063 = vector.load %arg7[%get3A_1060, %get3A_1061, %get3A_1062] : memref<32x128x128xf32, #tpu.memory_space<vmem>>, vector<32x1x128xf32>
      %get3A_1064 = vector.shape_cast %get3A_1063 : vector<32x1x128xf32> to vector<32x128xf32>
      %mul3A_1065 = vector.broadcast %slice3A_1059 : vector<32x1xf32> to vector<32x128xf32>
      %mul3A_1066 = arith.mulf %get3A_1064, %mul3A_1065 : vector<32x128xf32>
      %sub3A_1067 = arith.constant 1.000000e+00 : f32
      %sub3A_1068 = vector.broadcast %sub3A_1067 : f32 to vector<32x128xf32>
      %sub3A_1069 = arith.subf %sub3A_1068, %mul3A_1066 : vector<32x128xf32>
      %mul3A_1070 = arith.mulf %mul3A_1058, %sub3A_1069 : vector<32x128xf32>
      %slice3A_1071 = vector.extract_strided_slice %mul3A_1070 {offsets = [0, 83], sizes = [32, 1], strides = [1, 1]} : vector<32x128xf32> to vector<32x1xf32>
      %get3A_1072 = arith.constant 0 : index
      %get3A_1073 = arith.constant 83 : index
      %get3A_1074 = arith.constant 0 : index
      %get3A_1075 = vector.load %arg7[%get3A_1072, %get3A_1073, %get3A_1074] : memref<32x128x128xf32, #tpu.memory_space<vmem>>, vector<32x1x128xf32>
      %get3A_1076 = vector.shape_cast %get3A_1075 : vector<32x1x128xf32> to vector<32x128xf32>
      %mul3A_1077 = vector.broadcast %slice3A_1071 : vector<32x1xf32> to vector<32x128xf32>
      %mul3A_1078 = arith.mulf %get3A_1076, %mul3A_1077 : vector<32x128xf32>
      %sub3A_1079 = arith.constant 1.000000e+00 : f32
      %sub3A_1080 = vector.broadcast %sub3A_1079 : f32 to vector<32x128xf32>
      %sub3A_1081 = arith.subf %sub3A_1080, %mul3A_1078 : vector<32x128xf32>
      %mul3A_1082 = arith.mulf %mul3A_1070, %sub3A_1081 : vector<32x128xf32>
      %slice3A_1083 = vector.extract_strided_slice %mul3A_1082 {offsets = [0, 84], sizes = [32, 1], strides = [1, 1]} : vector<32x128xf32> to vector<32x1xf32>
      %get3A_1084 = arith.constant 0 : index
      %get3A_1085 = arith.constant 84 : index
      %get3A_1086 = arith.constant 0 : index
      %get3A_1087 = vector.load %arg7[%get3A_1084, %get3A_1085, %get3A_1086] : memref<32x128x128xf32, #tpu.memory_space<vmem>>, vector<32x1x128xf32>
      %get3A_1088 = vector.shape_cast %get3A_1087 : vector<32x1x128xf32> to vector<32x128xf32>
      %mul3A_1089 = vector.broadcast %slice3A_1083 : vector<32x1xf32> to vector<32x128xf32>
      %mul3A_1090 = arith.mulf %get3A_1088, %mul3A_1089 : vector<32x128xf32>
      %sub3A_1091 = arith.constant 1.000000e+00 : f32
      %sub3A_1092 = vector.broadcast %sub3A_1091 : f32 to vector<32x128xf32>
      %sub3A_1093 = arith.subf %sub3A_1092, %mul3A_1090 : vector<32x128xf32>
      %mul3A_1094 = arith.mulf %mul3A_1082, %sub3A_1093 : vector<32x128xf32>
      %slice3A_1095 = vector.extract_strided_slice %mul3A_1094 {offsets = [0, 85], sizes = [32, 1], strides = [1, 1]} : vector<32x128xf32> to vector<32x1xf32>
      %get3A_1096 = arith.constant 0 : index
      %get3A_1097 = arith.constant 85 : index
      %get3A_1098 = arith.constant 0 : index
      %get3A_1099 = vector.load %arg7[%get3A_1096, %get3A_1097, %get3A_1098] : memref<32x128x128xf32, #tpu.memory_space<vmem>>, vector<32x1x128xf32>
      %get3A_1100 = vector.shape_cast %get3A_1099 : vector<32x1x128xf32> to vector<32x128xf32>
      %mul3A_1101 = vector.broadcast %slice3A_1095 : vector<32x1xf32> to vector<32x128xf32>
      %mul3A_1102 = arith.mulf %get3A_1100, %mul3A_1101 : vector<32x128xf32>
      %sub3A_1103 = arith.constant 1.000000e+00 : f32
      %sub3A_1104 = vector.broadcast %sub3A_1103 : f32 to vector<32x128xf32>
      %sub3A_1105 = arith.subf %sub3A_1104, %mul3A_1102 : vector<32x128xf32>
      %mul3A_1106 = arith.mulf %mul3A_1094, %sub3A_1105 : vector<32x128xf32>
      %slice3A_1107 = vector.extract_strided_slice %mul3A_1106 {offsets = [0, 86], sizes = [32, 1], strides = [1, 1]} : vector<32x128xf32> to vector<32x1xf32>
      %get3A_1108 = arith.constant 0 : index
      %get3A_1109 = arith.constant 86 : index
      %get3A_1110 = arith.constant 0 : index
      %get3A_1111 = vector.load %arg7[%get3A_1108, %get3A_1109, %get3A_1110] : memref<32x128x128xf32, #tpu.memory_space<vmem>>, vector<32x1x128xf32>
      %get3A_1112 = vector.shape_cast %get3A_1111 : vector<32x1x128xf32> to vector<32x128xf32>
      %mul3A_1113 = vector.broadcast %slice3A_1107 : vector<32x1xf32> to vector<32x128xf32>
      %mul3A_1114 = arith.mulf %get3A_1112, %mul3A_1113 : vector<32x128xf32>
      %sub3A_1115 = arith.constant 1.000000e+00 : f32
      %sub3A_1116 = vector.broadcast %sub3A_1115 : f32 to vector<32x128xf32>
      %sub3A_1117 = arith.subf %sub3A_1116, %mul3A_1114 : vector<32x128xf32>
      %mul3A_1118 = arith.mulf %mul3A_1106, %sub3A_1117 : vector<32x128xf32>
      %slice3A_1119 = vector.extract_strided_slice %mul3A_1118 {offsets = [0, 87], sizes = [32, 1], strides = [1, 1]} : vector<32x128xf32> to vector<32x1xf32>
      %get3A_1120 = arith.constant 0 : index
      %get3A_1121 = arith.constant 87 : index
      %get3A_1122 = arith.constant 0 : index
      %get3A_1123 = vector.load %arg7[%get3A_1120, %get3A_1121, %get3A_1122] : memref<32x128x128xf32, #tpu.memory_space<vmem>>, vector<32x1x128xf32>
      %get3A_1124 = vector.shape_cast %get3A_1123 : vector<32x1x128xf32> to vector<32x128xf32>
      %mul3A_1125 = vector.broadcast %slice3A_1119 : vector<32x1xf32> to vector<32x128xf32>
      %mul3A_1126 = arith.mulf %get3A_1124, %mul3A_1125 : vector<32x128xf32>
      %sub3A_1127 = arith.constant 1.000000e+00 : f32
      %sub3A_1128 = vector.broadcast %sub3A_1127 : f32 to vector<32x128xf32>
      %sub3A_1129 = arith.subf %sub3A_1128, %mul3A_1126 : vector<32x128xf32>
      %mul3A_1130 = arith.mulf %mul3A_1118, %sub3A_1129 : vector<32x128xf32>
      %slice3A_1131 = vector.extract_strided_slice %mul3A_1130 {offsets = [0, 88], sizes = [32, 1], strides = [1, 1]} : vector<32x128xf32> to vector<32x1xf32>
      %get3A_1132 = arith.constant 0 : index
      %get3A_1133 = arith.constant 88 : index
      %get3A_1134 = arith.constant 0 : index
      %get3A_1135 = vector.load %arg7[%get3A_1132, %get3A_1133, %get3A_1134] : memref<32x128x128xf32, #tpu.memory_space<vmem>>, vector<32x1x128xf32>
      %get3A_1136 = vector.shape_cast %get3A_1135 : vector<32x1x128xf32> to vector<32x128xf32>
      %mul3A_1137 = vector.broadcast %slice3A_1131 : vector<32x1xf32> to vector<32x128xf32>
      %mul3A_1138 = arith.mulf %get3A_1136, %mul3A_1137 : vector<32x128xf32>
      %sub3A_1139 = arith.constant 1.000000e+00 : f32
      %sub3A_1140 = vector.broadcast %sub3A_1139 : f32 to vector<32x128xf32>
      %sub3A_1141 = arith.subf %sub3A_1140, %mul3A_1138 : vector<32x128xf32>
      %mul3A_1142 = arith.mulf %mul3A_1130, %sub3A_1141 : vector<32x128xf32>
      %slice3A_1143 = vector.extract_strided_slice %mul3A_1142 {offsets = [0, 89], sizes = [32, 1], strides = [1, 1]} : vector<32x128xf32> to vector<32x1xf32>
      %get3A_1144 = arith.constant 0 : index
      %get3A_1145 = arith.constant 89 : index
      %get3A_1146 = arith.constant 0 : index
      %get3A_1147 = vector.load %arg7[%get3A_1144, %get3A_1145, %get3A_1146] : memref<32x128x128xf32, #tpu.memory_space<vmem>>, vector<32x1x128xf32>
      %get3A_1148 = vector.shape_cast %get3A_1147 : vector<32x1x128xf32> to vector<32x128xf32>
      %mul3A_1149 = vector.broadcast %slice3A_1143 : vector<32x1xf32> to vector<32x128xf32>
      %mul3A_1150 = arith.mulf %get3A_1148, %mul3A_1149 : vector<32x128xf32>
      %sub3A_1151 = arith.constant 1.000000e+00 : f32
      %sub3A_1152 = vector.broadcast %sub3A_1151 : f32 to vector<32x128xf32>
      %sub3A_1153 = arith.subf %sub3A_1152, %mul3A_1150 : vector<32x128xf32>
      %mul3A_1154 = arith.mulf %mul3A_1142, %sub3A_1153 : vector<32x128xf32>
      %slice3A_1155 = vector.extract_strided_slice %mul3A_1154 {offsets = [0, 90], sizes = [32, 1], strides = [1, 1]} : vector<32x128xf32> to vector<32x1xf32>
      %get3A_1156 = arith.constant 0 : index
      %get3A_1157 = arith.constant 90 : index
      %get3A_1158 = arith.constant 0 : index
      %get3A_1159 = vector.load %arg7[%get3A_1156, %get3A_1157, %get3A_1158] : memref<32x128x128xf32, #tpu.memory_space<vmem>>, vector<32x1x128xf32>
      %get3A_1160 = vector.shape_cast %get3A_1159 : vector<32x1x128xf32> to vector<32x128xf32>
      %mul3A_1161 = vector.broadcast %slice3A_1155 : vector<32x1xf32> to vector<32x128xf32>
      %mul3A_1162 = arith.mulf %get3A_1160, %mul3A_1161 : vector<32x128xf32>
      %sub3A_1163 = arith.constant 1.000000e+00 : f32
      %sub3A_1164 = vector.broadcast %sub3A_1163 : f32 to vector<32x128xf32>
      %sub3A_1165 = arith.subf %sub3A_1164, %mul3A_1162 : vector<32x128xf32>
      %mul3A_1166 = arith.mulf %mul3A_1154, %sub3A_1165 : vector<32x128xf32>
      %slice3A_1167 = vector.extract_strided_slice %mul3A_1166 {offsets = [0, 91], sizes = [32, 1], strides = [1, 1]} : vector<32x128xf32> to vector<32x1xf32>
      %get3A_1168 = arith.constant 0 : index
      %get3A_1169 = arith.constant 91 : index
      %get3A_1170 = arith.constant 0 : index
      %get3A_1171 = vector.load %arg7[%get3A_1168, %get3A_1169, %get3A_1170] : memref<32x128x128xf32, #tpu.memory_space<vmem>>, vector<32x1x128xf32>
      %get3A_1172 = vector.shape_cast %get3A_1171 : vector<32x1x128xf32> to vector<32x128xf32>
      %mul3A_1173 = vector.broadcast %slice3A_1167 : vector<32x1xf32> to vector<32x128xf32>
      %mul3A_1174 = arith.mulf %get3A_1172, %mul3A_1173 : vector<32x128xf32>
      %sub3A_1175 = arith.constant 1.000000e+00 : f32
      %sub3A_1176 = vector.broadcast %sub3A_1175 : f32 to vector<32x128xf32>
      %sub3A_1177 = arith.subf %sub3A_1176, %mul3A_1174 : vector<32x128xf32>
      %mul3A_1178 = arith.mulf %mul3A_1166, %sub3A_1177 : vector<32x128xf32>
      %slice3A_1179 = vector.extract_strided_slice %mul3A_1178 {offsets = [0, 92], sizes = [32, 1], strides = [1, 1]} : vector<32x128xf32> to vector<32x1xf32>
      %get3A_1180 = arith.constant 0 : index
      %get3A_1181 = arith.constant 92 : index
      %get3A_1182 = arith.constant 0 : index
      %get3A_1183 = vector.load %arg7[%get3A_1180, %get3A_1181, %get3A_1182] : memref<32x128x128xf32, #tpu.memory_space<vmem>>, vector<32x1x128xf32>
      %get3A_1184 = vector.shape_cast %get3A_1183 : vector<32x1x128xf32> to vector<32x128xf32>
      %mul3A_1185 = vector.broadcast %slice3A_1179 : vector<32x1xf32> to vector<32x128xf32>
      %mul3A_1186 = arith.mulf %get3A_1184, %mul3A_1185 : vector<32x128xf32>
      %sub3A_1187 = arith.constant 1.000000e+00 : f32
      %sub3A_1188 = vector.broadcast %sub3A_1187 : f32 to vector<32x128xf32>
      %sub3A_1189 = arith.subf %sub3A_1188, %mul3A_1186 : vector<32x128xf32>
      %mul3A_1190 = arith.mulf %mul3A_1178, %sub3A_1189 : vector<32x128xf32>
      %slice3A_1191 = vector.extract_strided_slice %mul3A_1190 {offsets = [0, 93], sizes = [32, 1], strides = [1, 1]} : vector<32x128xf32> to vector<32x1xf32>
      %get3A_1192 = arith.constant 0 : index
      %get3A_1193 = arith.constant 93 : index
      %get3A_1194 = arith.constant 0 : index
      %get3A_1195 = vector.load %arg7[%get3A_1192, %get3A_1193, %get3A_1194] : memref<32x128x128xf32, #tpu.memory_space<vmem>>, vector<32x1x128xf32>
      %get3A_1196 = vector.shape_cast %get3A_1195 : vector<32x1x128xf32> to vector<32x128xf32>
      %mul3A_1197 = vector.broadcast %slice3A_1191 : vector<32x1xf32> to vector<32x128xf32>
      %mul3A_1198 = arith.mulf %get3A_1196, %mul3A_1197 : vector<32x128xf32>
      %sub3A_1199 = arith.constant 1.000000e+00 : f32
      %sub3A_1200 = vector.broadcast %sub3A_1199 : f32 to vector<32x128xf32>
      %sub3A_1201 = arith.subf %sub3A_1200, %mul3A_1198 : vector<32x128xf32>
      %mul3A_1202 = arith.mulf %mul3A_1190, %sub3A_1201 : vector<32x128xf32>
      %slice3A_1203 = vector.extract_strided_slice %mul3A_1202 {offsets = [0, 94], sizes = [32, 1], strides = [1, 1]} : vector<32x128xf32> to vector<32x1xf32>
      %get3A_1204 = arith.constant 0 : index
      %get3A_1205 = arith.constant 94 : index
      %get3A_1206 = arith.constant 0 : index
      %get3A_1207 = vector.load %arg7[%get3A_1204, %get3A_1205, %get3A_1206] : memref<32x128x128xf32, #tpu.memory_space<vmem>>, vector<32x1x128xf32>
      %get3A_1208 = vector.shape_cast %get3A_1207 : vector<32x1x128xf32> to vector<32x128xf32>
      %mul3A_1209 = vector.broadcast %slice3A_1203 : vector<32x1xf32> to vector<32x128xf32>
      %mul3A_1210 = arith.mulf %get3A_1208, %mul3A_1209 : vector<32x128xf32>
      %sub3A_1211 = arith.constant 1.000000e+00 : f32
      %sub3A_1212 = vector.broadcast %sub3A_1211 : f32 to vector<32x128xf32>
      %sub3A_1213 = arith.subf %sub3A_1212, %mul3A_1210 : vector<32x128xf32>
      %mul3A_1214 = arith.mulf %mul3A_1202, %sub3A_1213 : vector<32x128xf32>
      %slice3A_1215 = vector.extract_strided_slice %mul3A_1214 {offsets = [0, 95], sizes = [32, 1], strides = [1, 1]} : vector<32x128xf32> to vector<32x1xf32>
      %get3A_1216 = arith.constant 0 : index
      %get3A_1217 = arith.constant 95 : index
      %get3A_1218 = arith.constant 0 : index
      %get3A_1219 = vector.load %arg7[%get3A_1216, %get3A_1217, %get3A_1218] : memref<32x128x128xf32, #tpu.memory_space<vmem>>, vector<32x1x128xf32>
      %get3A_1220 = vector.shape_cast %get3A_1219 : vector<32x1x128xf32> to vector<32x128xf32>
      %mul3A_1221 = vector.broadcast %slice3A_1215 : vector<32x1xf32> to vector<32x128xf32>
      %mul3A_1222 = arith.mulf %get3A_1220, %mul3A_1221 : vector<32x128xf32>
      %sub3A_1223 = arith.constant 1.000000e+00 : f32
      %sub3A_1224 = vector.broadcast %sub3A_1223 : f32 to vector<32x128xf32>
      %sub3A_1225 = arith.subf %sub3A_1224, %mul3A_1222 : vector<32x128xf32>
      %mul3A_1226 = arith.mulf %mul3A_1214, %sub3A_1225 : vector<32x128xf32>
      %slice3A_1227 = vector.extract_strided_slice %mul3A_1226 {offsets = [0, 96], sizes = [32, 1], strides = [1, 1]} : vector<32x128xf32> to vector<32x1xf32>
      %get3A_1228 = arith.constant 0 : index
      %get3A_1229 = arith.constant 96 : index
      %get3A_1230 = arith.constant 0 : index
      %get3A_1231 = vector.load %arg7[%get3A_1228, %get3A_1229, %get3A_1230] : memref<32x128x128xf32, #tpu.memory_space<vmem>>, vector<32x1x128xf32>
      %get3A_1232 = vector.shape_cast %get3A_1231 : vector<32x1x128xf32> to vector<32x128xf32>
      %mul3A_1233 = vector.broadcast %slice3A_1227 : vector<32x1xf32> to vector<32x128xf32>
      %mul3A_1234 = arith.mulf %get3A_1232, %mul3A_1233 : vector<32x128xf32>
      %sub3A_1235 = arith.constant 1.000000e+00 : f32
      %sub3A_1236 = vector.broadcast %sub3A_1235 : f32 to vector<32x128xf32>
      %sub3A_1237 = arith.subf %sub3A_1236, %mul3A_1234 : vector<32x128xf32>
      %mul3A_1238 = arith.mulf %mul3A_1226, %sub3A_1237 : vector<32x128xf32>
      %slice3A_1239 = vector.extract_strided_slice %mul3A_1238 {offsets = [0, 97], sizes = [32, 1], strides = [1, 1]} : vector<32x128xf32> to vector<32x1xf32>
      %get3A_1240 = arith.constant 0 : index
      %get3A_1241 = arith.constant 97 : index
      %get3A_1242 = arith.constant 0 : index
      %get3A_1243 = vector.load %arg7[%get3A_1240, %get3A_1241, %get3A_1242] : memref<32x128x128xf32, #tpu.memory_space<vmem>>, vector<32x1x128xf32>
      %get3A_1244 = vector.shape_cast %get3A_1243 : vector<32x1x128xf32> to vector<32x128xf32>
      %mul3A_1245 = vector.broadcast %slice3A_1239 : vector<32x1xf32> to vector<32x128xf32>
      %mul3A_1246 = arith.mulf %get3A_1244, %mul3A_1245 : vector<32x128xf32>
      %sub3A_1247 = arith.constant 1.000000e+00 : f32
      %sub3A_1248 = vector.broadcast %sub3A_1247 : f32 to vector<32x128xf32>
      %sub3A_1249 = arith.subf %sub3A_1248, %mul3A_1246 : vector<32x128xf32>
      %mul3A_1250 = arith.mulf %mul3A_1238, %sub3A_1249 : vector<32x128xf32>
      %slice3A_1251 = vector.extract_strided_slice %mul3A_1250 {offsets = [0, 98], sizes = [32, 1], strides = [1, 1]} : vector<32x128xf32> to vector<32x1xf32>
      %get3A_1252 = arith.constant 0 : index
      %get3A_1253 = arith.constant 98 : index
      %get3A_1254 = arith.constant 0 : index
      %get3A_1255 = vector.load %arg7[%get3A_1252, %get3A_1253, %get3A_1254] : memref<32x128x128xf32, #tpu.memory_space<vmem>>, vector<32x1x128xf32>
      %get3A_1256 = vector.shape_cast %get3A_1255 : vector<32x1x128xf32> to vector<32x128xf32>
      %mul3A_1257 = vector.broadcast %slice3A_1251 : vector<32x1xf32> to vector<32x128xf32>
      %mul3A_1258 = arith.mulf %get3A_1256, %mul3A_1257 : vector<32x128xf32>
      %sub3A_1259 = arith.constant 1.000000e+00 : f32
      %sub3A_1260 = vector.broadcast %sub3A_1259 : f32 to vector<32x128xf32>
      %sub3A_1261 = arith.subf %sub3A_1260, %mul3A_1258 : vector<32x128xf32>
      %mul3A_1262 = arith.mulf %mul3A_1250, %sub3A_1261 : vector<32x128xf32>
      %slice3A_1263 = vector.extract_strided_slice %mul3A_1262 {offsets = [0, 99], sizes = [32, 1], strides = [1, 1]} : vector<32x128xf32> to vector<32x1xf32>
      %get3A_1264 = arith.constant 0 : index
      %get3A_1265 = arith.constant 99 : index
      %get3A_1266 = arith.constant 0 : index
      %get3A_1267 = vector.load %arg7[%get3A_1264, %get3A_1265, %get3A_1266] : memref<32x128x128xf32, #tpu.memory_space<vmem>>, vector<32x1x128xf32>
      %get3A_1268 = vector.shape_cast %get3A_1267 : vector<32x1x128xf32> to vector<32x128xf32>
      %mul3A_1269 = vector.broadcast %slice3A_1263 : vector<32x1xf32> to vector<32x128xf32>
      %mul3A_1270 = arith.mulf %get3A_1268, %mul3A_1269 : vector<32x128xf32>
      %sub3A_1271 = arith.constant 1.000000e+00 : f32
      %sub3A_1272 = vector.broadcast %sub3A_1271 : f32 to vector<32x128xf32>
      %sub3A_1273 = arith.subf %sub3A_1272, %mul3A_1270 : vector<32x128xf32>
      %mul3A_1274 = arith.mulf %mul3A_1262, %sub3A_1273 : vector<32x128xf32>
      %slice3A_1275 = vector.extract_strided_slice %mul3A_1274 {offsets = [0, 100], sizes = [32, 1], strides = [1, 1]} : vector<32x128xf32> to vector<32x1xf32>
      %get3A_1276 = arith.constant 0 : index
      %get3A_1277 = arith.constant 100 : index
      %get3A_1278 = arith.constant 0 : index
      %get3A_1279 = vector.load %arg7[%get3A_1276, %get3A_1277, %get3A_1278] : memref<32x128x128xf32, #tpu.memory_space<vmem>>, vector<32x1x128xf32>
      %get3A_1280 = vector.shape_cast %get3A_1279 : vector<32x1x128xf32> to vector<32x128xf32>
      %mul3A_1281 = vector.broadcast %slice3A_1275 : vector<32x1xf32> to vector<32x128xf32>
      %mul3A_1282 = arith.mulf %get3A_1280, %mul3A_1281 : vector<32x128xf32>
      %sub3A_1283 = arith.constant 1.000000e+00 : f32
      %sub3A_1284 = vector.broadcast %sub3A_1283 : f32 to vector<32x128xf32>
      %sub3A_1285 = arith.subf %sub3A_1284, %mul3A_1282 : vector<32x128xf32>
      %mul3A_1286 = arith.mulf %mul3A_1274, %sub3A_1285 : vector<32x128xf32>
      %slice3A_1287 = vector.extract_strided_slice %mul3A_1286 {offsets = [0, 101], sizes = [32, 1], strides = [1, 1]} : vector<32x128xf32> to vector<32x1xf32>
      %get3A_1288 = arith.constant 0 : index
      %get3A_1289 = arith.constant 101 : index
      %get3A_1290 = arith.constant 0 : index
      %get3A_1291 = vector.load %arg7[%get3A_1288, %get3A_1289, %get3A_1290] : memref<32x128x128xf32, #tpu.memory_space<vmem>>, vector<32x1x128xf32>
      %get3A_1292 = vector.shape_cast %get3A_1291 : vector<32x1x128xf32> to vector<32x128xf32>
      %mul3A_1293 = vector.broadcast %slice3A_1287 : vector<32x1xf32> to vector<32x128xf32>
      %mul3A_1294 = arith.mulf %get3A_1292, %mul3A_1293 : vector<32x128xf32>
      %sub3A_1295 = arith.constant 1.000000e+00 : f32
      %sub3A_1296 = vector.broadcast %sub3A_1295 : f32 to vector<32x128xf32>
      %sub3A_1297 = arith.subf %sub3A_1296, %mul3A_1294 : vector<32x128xf32>
      %mul3A_1298 = arith.mulf %mul3A_1286, %sub3A_1297 : vector<32x128xf32>
      %slice3A_1299 = vector.extract_strided_slice %mul3A_1298 {offsets = [0, 102], sizes = [32, 1], strides = [1, 1]} : vector<32x128xf32> to vector<32x1xf32>
      %get3A_1300 = arith.constant 0 : index
      %get3A_1301 = arith.constant 102 : index
      %get3A_1302 = arith.constant 0 : index
      %get3A_1303 = vector.load %arg7[%get3A_1300, %get3A_1301, %get3A_1302] : memref<32x128x128xf32, #tpu.memory_space<vmem>>, vector<32x1x128xf32>
      %get3A_1304 = vector.shape_cast %get3A_1303 : vector<32x1x128xf32> to vector<32x128xf32>
      %mul3A_1305 = vector.broadcast %slice3A_1299 : vector<32x1xf32> to vector<32x128xf32>
      %mul3A_1306 = arith.mulf %get3A_1304, %mul3A_1305 : vector<32x128xf32>
      %sub3A_1307 = arith.constant 1.000000e+00 : f32
      %sub3A_1308 = vector.broadcast %sub3A_1307 : f32 to vector<32x128xf32>
      %sub3A_1309 = arith.subf %sub3A_1308, %mul3A_1306 : vector<32x128xf32>
      %mul3A_1310 = arith.mulf %mul3A_1298, %sub3A_1309 : vector<32x128xf32>
      %slice3A_1311 = vector.extract_strided_slice %mul3A_1310 {offsets = [0, 103], sizes = [32, 1], strides = [1, 1]} : vector<32x128xf32> to vector<32x1xf32>
      %get3A_1312 = arith.constant 0 : index
      %get3A_1313 = arith.constant 103 : index
      %get3A_1314 = arith.constant 0 : index
      %get3A_1315 = vector.load %arg7[%get3A_1312, %get3A_1313, %get3A_1314] : memref<32x128x128xf32, #tpu.memory_space<vmem>>, vector<32x1x128xf32>
      %get3A_1316 = vector.shape_cast %get3A_1315 : vector<32x1x128xf32> to vector<32x128xf32>
      %mul3A_1317 = vector.broadcast %slice3A_1311 : vector<32x1xf32> to vector<32x128xf32>
      %mul3A_1318 = arith.mulf %get3A_1316, %mul3A_1317 : vector<32x128xf32>
      %sub3A_1319 = arith.constant 1.000000e+00 : f32
      %sub3A_1320 = vector.broadcast %sub3A_1319 : f32 to vector<32x128xf32>
      %sub3A_1321 = arith.subf %sub3A_1320, %mul3A_1318 : vector<32x128xf32>
      %mul3A_1322 = arith.mulf %mul3A_1310, %sub3A_1321 : vector<32x128xf32>
      %slice3A_1323 = vector.extract_strided_slice %mul3A_1322 {offsets = [0, 104], sizes = [32, 1], strides = [1, 1]} : vector<32x128xf32> to vector<32x1xf32>
      %get3A_1324 = arith.constant 0 : index
      %get3A_1325 = arith.constant 104 : index
      %get3A_1326 = arith.constant 0 : index
      %get3A_1327 = vector.load %arg7[%get3A_1324, %get3A_1325, %get3A_1326] : memref<32x128x128xf32, #tpu.memory_space<vmem>>, vector<32x1x128xf32>
      %get3A_1328 = vector.shape_cast %get3A_1327 : vector<32x1x128xf32> to vector<32x128xf32>
      %mul3A_1329 = vector.broadcast %slice3A_1323 : vector<32x1xf32> to vector<32x128xf32>
      %mul3A_1330 = arith.mulf %get3A_1328, %mul3A_1329 : vector<32x128xf32>
      %sub3A_1331 = arith.constant 1.000000e+00 : f32
      %sub3A_1332 = vector.broadcast %sub3A_1331 : f32 to vector<32x128xf32>
      %sub3A_1333 = arith.subf %sub3A_1332, %mul3A_1330 : vector<32x128xf32>
      %mul3A_1334 = arith.mulf %mul3A_1322, %sub3A_1333 : vector<32x128xf32>
      %slice3A_1335 = vector.extract_strided_slice %mul3A_1334 {offsets = [0, 105], sizes = [32, 1], strides = [1, 1]} : vector<32x128xf32> to vector<32x1xf32>
      %get3A_1336 = arith.constant 0 : index
      %get3A_1337 = arith.constant 105 : index
      %get3A_1338 = arith.constant 0 : index
      %get3A_1339 = vector.load %arg7[%get3A_1336, %get3A_1337, %get3A_1338] : memref<32x128x128xf32, #tpu.memory_space<vmem>>, vector<32x1x128xf32>
      %get3A_1340 = vector.shape_cast %get3A_1339 : vector<32x1x128xf32> to vector<32x128xf32>
      %mul3A_1341 = vector.broadcast %slice3A_1335 : vector<32x1xf32> to vector<32x128xf32>
      %mul3A_1342 = arith.mulf %get3A_1340, %mul3A_1341 : vector<32x128xf32>
      %sub3A_1343 = arith.constant 1.000000e+00 : f32
      %sub3A_1344 = vector.broadcast %sub3A_1343 : f32 to vector<32x128xf32>
      %sub3A_1345 = arith.subf %sub3A_1344, %mul3A_1342 : vector<32x128xf32>
      %mul3A_1346 = arith.mulf %mul3A_1334, %sub3A_1345 : vector<32x128xf32>
      %slice3A_1347 = vector.extract_strided_slice %mul3A_1346 {offsets = [0, 106], sizes = [32, 1], strides = [1, 1]} : vector<32x128xf32> to vector<32x1xf32>
      %get3A_1348 = arith.constant 0 : index
      %get3A_1349 = arith.constant 106 : index
      %get3A_1350 = arith.constant 0 : index
      %get3A_1351 = vector.load %arg7[%get3A_1348, %get3A_1349, %get3A_1350] : memref<32x128x128xf32, #tpu.memory_space<vmem>>, vector<32x1x128xf32>
      %get3A_1352 = vector.shape_cast %get3A_1351 : vector<32x1x128xf32> to vector<32x128xf32>
      %mul3A_1353 = vector.broadcast %slice3A_1347 : vector<32x1xf32> to vector<32x128xf32>
      %mul3A_1354 = arith.mulf %get3A_1352, %mul3A_1353 : vector<32x128xf32>
      %sub3A_1355 = arith.constant 1.000000e+00 : f32
      %sub3A_1356 = vector.broadcast %sub3A_1355 : f32 to vector<32x128xf32>
      %sub3A_1357 = arith.subf %sub3A_1356, %mul3A_1354 : vector<32x128xf32>
      %mul3A_1358 = arith.mulf %mul3A_1346, %sub3A_1357 : vector<32x128xf32>
      %slice3A_1359 = vector.extract_strided_slice %mul3A_1358 {offsets = [0, 107], sizes = [32, 1], strides = [1, 1]} : vector<32x128xf32> to vector<32x1xf32>
      %get3A_1360 = arith.constant 0 : index
      %get3A_1361 = arith.constant 107 : index
      %get3A_1362 = arith.constant 0 : index
      %get3A_1363 = vector.load %arg7[%get3A_1360, %get3A_1361, %get3A_1362] : memref<32x128x128xf32, #tpu.memory_space<vmem>>, vector<32x1x128xf32>
      %get3A_1364 = vector.shape_cast %get3A_1363 : vector<32x1x128xf32> to vector<32x128xf32>
      %mul3A_1365 = vector.broadcast %slice3A_1359 : vector<32x1xf32> to vector<32x128xf32>
      %mul3A_1366 = arith.mulf %get3A_1364, %mul3A_1365 : vector<32x128xf32>
      %sub3A_1367 = arith.constant 1.000000e+00 : f32
      %sub3A_1368 = vector.broadcast %sub3A_1367 : f32 to vector<32x128xf32>
      %sub3A_1369 = arith.subf %sub3A_1368, %mul3A_1366 : vector<32x128xf32>
      %mul3A_1370 = arith.mulf %mul3A_1358, %sub3A_1369 : vector<32x128xf32>
      %slice3A_1371 = vector.extract_strided_slice %mul3A_1370 {offsets = [0, 108], sizes = [32, 1], strides = [1, 1]} : vector<32x128xf32> to vector<32x1xf32>
      %get3A_1372 = arith.constant 0 : index
      %get3A_1373 = arith.constant 108 : index
      %get3A_1374 = arith.constant 0 : index
      %get3A_1375 = vector.load %arg7[%get3A_1372, %get3A_1373, %get3A_1374] : memref<32x128x128xf32, #tpu.memory_space<vmem>>, vector<32x1x128xf32>
      %get3A_1376 = vector.shape_cast %get3A_1375 : vector<32x1x128xf32> to vector<32x128xf32>
      %mul3A_1377 = vector.broadcast %slice3A_1371 : vector<32x1xf32> to vector<32x128xf32>
      %mul3A_1378 = arith.mulf %get3A_1376, %mul3A_1377 : vector<32x128xf32>
      %sub3A_1379 = arith.constant 1.000000e+00 : f32
      %sub3A_1380 = vector.broadcast %sub3A_1379 : f32 to vector<32x128xf32>
      %sub3A_1381 = arith.subf %sub3A_1380, %mul3A_1378 : vector<32x128xf32>
      %mul3A_1382 = arith.mulf %mul3A_1370, %sub3A_1381 : vector<32x128xf32>
      %slice3A_1383 = vector.extract_strided_slice %mul3A_1382 {offsets = [0, 109], sizes = [32, 1], strides = [1, 1]} : vector<32x128xf32> to vector<32x1xf32>
      %get3A_1384 = arith.constant 0 : index
      %get3A_1385 = arith.constant 109 : index
      %get3A_1386 = arith.constant 0 : index
      %get3A_1387 = vector.load %arg7[%get3A_1384, %get3A_1385, %get3A_1386] : memref<32x128x128xf32, #tpu.memory_space<vmem>>, vector<32x1x128xf32>
      %get3A_1388 = vector.shape_cast %get3A_1387 : vector<32x1x128xf32> to vector<32x128xf32>
      %mul3A_1389 = vector.broadcast %slice3A_1383 : vector<32x1xf32> to vector<32x128xf32>
      %mul3A_1390 = arith.mulf %get3A_1388, %mul3A_1389 : vector<32x128xf32>
      %sub3A_1391 = arith.constant 1.000000e+00 : f32
      %sub3A_1392 = vector.broadcast %sub3A_1391 : f32 to vector<32x128xf32>
      %sub3A_1393 = arith.subf %sub3A_1392, %mul3A_1390 : vector<32x128xf32>
      %mul3A_1394 = arith.mulf %mul3A_1382, %sub3A_1393 : vector<32x128xf32>
      %slice3A_1395 = vector.extract_strided_slice %mul3A_1394 {offsets = [0, 110], sizes = [32, 1], strides = [1, 1]} : vector<32x128xf32> to vector<32x1xf32>
      %get3A_1396 = arith.constant 0 : index
      %get3A_1397 = arith.constant 110 : index
      %get3A_1398 = arith.constant 0 : index
      %get3A_1399 = vector.load %arg7[%get3A_1396, %get3A_1397, %get3A_1398] : memref<32x128x128xf32, #tpu.memory_space<vmem>>, vector<32x1x128xf32>
      %get3A_1400 = vector.shape_cast %get3A_1399 : vector<32x1x128xf32> to vector<32x128xf32>
      %mul3A_1401 = vector.broadcast %slice3A_1395 : vector<32x1xf32> to vector<32x128xf32>
      %mul3A_1402 = arith.mulf %get3A_1400, %mul3A_1401 : vector<32x128xf32>
      %sub3A_1403 = arith.constant 1.000000e+00 : f32
      %sub3A_1404 = vector.broadcast %sub3A_1403 : f32 to vector<32x128xf32>
      %sub3A_1405 = arith.subf %sub3A_1404, %mul3A_1402 : vector<32x128xf32>
      %mul3A_1406 = arith.mulf %mul3A_1394, %sub3A_1405 : vector<32x128xf32>
      %slice3A_1407 = vector.extract_strided_slice %mul3A_1406 {offsets = [0, 111], sizes = [32, 1], strides = [1, 1]} : vector<32x128xf32> to vector<32x1xf32>
      %get3A_1408 = arith.constant 0 : index
      %get3A_1409 = arith.constant 111 : index
      %get3A_1410 = arith.constant 0 : index
      %get3A_1411 = vector.load %arg7[%get3A_1408, %get3A_1409, %get3A_1410] : memref<32x128x128xf32, #tpu.memory_space<vmem>>, vector<32x1x128xf32>
      %get3A_1412 = vector.shape_cast %get3A_1411 : vector<32x1x128xf32> to vector<32x128xf32>
      %mul3A_1413 = vector.broadcast %slice3A_1407 : vector<32x1xf32> to vector<32x128xf32>
      %mul3A_1414 = arith.mulf %get3A_1412, %mul3A_1413 : vector<32x128xf32>
      %sub3A_1415 = arith.constant 1.000000e+00 : f32
      %sub3A_1416 = vector.broadcast %sub3A_1415 : f32 to vector<32x128xf32>
      %sub3A_1417 = arith.subf %sub3A_1416, %mul3A_1414 : vector<32x128xf32>
      %mul3A_1418 = arith.mulf %mul3A_1406, %sub3A_1417 : vector<32x128xf32>
      %slice3A_1419 = vector.extract_strided_slice %mul3A_1418 {offsets = [0, 112], sizes = [32, 1], strides = [1, 1]} : vector<32x128xf32> to vector<32x1xf32>
      %get3A_1420 = arith.constant 0 : index
      %get3A_1421 = arith.constant 112 : index
      %get3A_1422 = arith.constant 0 : index
      %get3A_1423 = vector.load %arg7[%get3A_1420, %get3A_1421, %get3A_1422] : memref<32x128x128xf32, #tpu.memory_space<vmem>>, vector<32x1x128xf32>
      %get3A_1424 = vector.shape_cast %get3A_1423 : vector<32x1x128xf32> to vector<32x128xf32>
      %mul3A_1425 = vector.broadcast %slice3A_1419 : vector<32x1xf32> to vector<32x128xf32>
      %mul3A_1426 = arith.mulf %get3A_1424, %mul3A_1425 : vector<32x128xf32>
      %sub3A_1427 = arith.constant 1.000000e+00 : f32
      %sub3A_1428 = vector.broadcast %sub3A_1427 : f32 to vector<32x128xf32>
      %sub3A_1429 = arith.subf %sub3A_1428, %mul3A_1426 : vector<32x128xf32>
      %mul3A_1430 = arith.mulf %mul3A_1418, %sub3A_1429 : vector<32x128xf32>
      %slice3A_1431 = vector.extract_strided_slice %mul3A_1430 {offsets = [0, 113], sizes = [32, 1], strides = [1, 1]} : vector<32x128xf32> to vector<32x1xf32>
      %get3A_1432 = arith.constant 0 : index
      %get3A_1433 = arith.constant 113 : index
      %get3A_1434 = arith.constant 0 : index
      %get3A_1435 = vector.load %arg7[%get3A_1432, %get3A_1433, %get3A_1434] : memref<32x128x128xf32, #tpu.memory_space<vmem>>, vector<32x1x128xf32>
      %get3A_1436 = vector.shape_cast %get3A_1435 : vector<32x1x128xf32> to vector<32x128xf32>
      %mul3A_1437 = vector.broadcast %slice3A_1431 : vector<32x1xf32> to vector<32x128xf32>
      %mul3A_1438 = arith.mulf %get3A_1436, %mul3A_1437 : vector<32x128xf32>
      %sub3A_1439 = arith.constant 1.000000e+00 : f32
      %sub3A_1440 = vector.broadcast %sub3A_1439 : f32 to vector<32x128xf32>
      %sub3A_1441 = arith.subf %sub3A_1440, %mul3A_1438 : vector<32x128xf32>
      %mul3A_1442 = arith.mulf %mul3A_1430, %sub3A_1441 : vector<32x128xf32>
      %slice3A_1443 = vector.extract_strided_slice %mul3A_1442 {offsets = [0, 114], sizes = [32, 1], strides = [1, 1]} : vector<32x128xf32> to vector<32x1xf32>
      %get3A_1444 = arith.constant 0 : index
      %get3A_1445 = arith.constant 114 : index
      %get3A_1446 = arith.constant 0 : index
      %get3A_1447 = vector.load %arg7[%get3A_1444, %get3A_1445, %get3A_1446] : memref<32x128x128xf32, #tpu.memory_space<vmem>>, vector<32x1x128xf32>
      %get3A_1448 = vector.shape_cast %get3A_1447 : vector<32x1x128xf32> to vector<32x128xf32>
      %mul3A_1449 = vector.broadcast %slice3A_1443 : vector<32x1xf32> to vector<32x128xf32>
      %mul3A_1450 = arith.mulf %get3A_1448, %mul3A_1449 : vector<32x128xf32>
      %sub3A_1451 = arith.constant 1.000000e+00 : f32
      %sub3A_1452 = vector.broadcast %sub3A_1451 : f32 to vector<32x128xf32>
      %sub3A_1453 = arith.subf %sub3A_1452, %mul3A_1450 : vector<32x128xf32>
      %mul3A_1454 = arith.mulf %mul3A_1442, %sub3A_1453 : vector<32x128xf32>
      %slice3A_1455 = vector.extract_strided_slice %mul3A_1454 {offsets = [0, 115], sizes = [32, 1], strides = [1, 1]} : vector<32x128xf32> to vector<32x1xf32>
      %get3A_1456 = arith.constant 0 : index
      %get3A_1457 = arith.constant 115 : index
      %get3A_1458 = arith.constant 0 : index
      %get3A_1459 = vector.load %arg7[%get3A_1456, %get3A_1457, %get3A_1458] : memref<32x128x128xf32, #tpu.memory_space<vmem>>, vector<32x1x128xf32>
      %get3A_1460 = vector.shape_cast %get3A_1459 : vector<32x1x128xf32> to vector<32x128xf32>
      %mul3A_1461 = vector.broadcast %slice3A_1455 : vector<32x1xf32> to vector<32x128xf32>
      %mul3A_1462 = arith.mulf %get3A_1460, %mul3A_1461 : vector<32x128xf32>
      %sub3A_1463 = arith.constant 1.000000e+00 : f32
      %sub3A_1464 = vector.broadcast %sub3A_1463 : f32 to vector<32x128xf32>
      %sub3A_1465 = arith.subf %sub3A_1464, %mul3A_1462 : vector<32x128xf32>
      %mul3A_1466 = arith.mulf %mul3A_1454, %sub3A_1465 : vector<32x128xf32>
      %slice3A_1467 = vector.extract_strided_slice %mul3A_1466 {offsets = [0, 116], sizes = [32, 1], strides = [1, 1]} : vector<32x128xf32> to vector<32x1xf32>
      %get3A_1468 = arith.constant 0 : index
      %get3A_1469 = arith.constant 116 : index
      %get3A_1470 = arith.constant 0 : index
      %get3A_1471 = vector.load %arg7[%get3A_1468, %get3A_1469, %get3A_1470] : memref<32x128x128xf32, #tpu.memory_space<vmem>>, vector<32x1x128xf32>
      %get3A_1472 = vector.shape_cast %get3A_1471 : vector<32x1x128xf32> to vector<32x128xf32>
      %mul3A_1473 = vector.broadcast %slice3A_1467 : vector<32x1xf32> to vector<32x128xf32>
      %mul3A_1474 = arith.mulf %get3A_1472, %mul3A_1473 : vector<32x128xf32>
      %sub3A_1475 = arith.constant 1.000000e+00 : f32
      %sub3A_1476 = vector.broadcast %sub3A_1475 : f32 to vector<32x128xf32>
      %sub3A_1477 = arith.subf %sub3A_1476, %mul3A_1474 : vector<32x128xf32>
      %mul3A_1478 = arith.mulf %mul3A_1466, %sub3A_1477 : vector<32x128xf32>
      %slice3A_1479 = vector.extract_strided_slice %mul3A_1478 {offsets = [0, 117], sizes = [32, 1], strides = [1, 1]} : vector<32x128xf32> to vector<32x1xf32>
      %get3A_1480 = arith.constant 0 : index
      %get3A_1481 = arith.constant 117 : index
      %get3A_1482 = arith.constant 0 : index
      %get3A_1483 = vector.load %arg7[%get3A_1480, %get3A_1481, %get3A_1482] : memref<32x128x128xf32, #tpu.memory_space<vmem>>, vector<32x1x128xf32>
      %get3A_1484 = vector.shape_cast %get3A_1483 : vector<32x1x128xf32> to vector<32x128xf32>
      %mul3A_1485 = vector.broadcast %slice3A_1479 : vector<32x1xf32> to vector<32x128xf32>
      %mul3A_1486 = arith.mulf %get3A_1484, %mul3A_1485 : vector<32x128xf32>
      %sub3A_1487 = arith.constant 1.000000e+00 : f32
      %sub3A_1488 = vector.broadcast %sub3A_1487 : f32 to vector<32x128xf32>
      %sub3A_1489 = arith.subf %sub3A_1488, %mul3A_1486 : vector<32x128xf32>
      %mul3A_1490 = arith.mulf %mul3A_1478, %sub3A_1489 : vector<32x128xf32>
      %slice3A_1491 = vector.extract_strided_slice %mul3A_1490 {offsets = [0, 118], sizes = [32, 1], strides = [1, 1]} : vector<32x128xf32> to vector<32x1xf32>
      %get3A_1492 = arith.constant 0 : index
      %get3A_1493 = arith.constant 118 : index
      %get3A_1494 = arith.constant 0 : index
      %get3A_1495 = vector.load %arg7[%get3A_1492, %get3A_1493, %get3A_1494] : memref<32x128x128xf32, #tpu.memory_space<vmem>>, vector<32x1x128xf32>
      %get3A_1496 = vector.shape_cast %get3A_1495 : vector<32x1x128xf32> to vector<32x128xf32>
      %mul3A_1497 = vector.broadcast %slice3A_1491 : vector<32x1xf32> to vector<32x128xf32>
      %mul3A_1498 = arith.mulf %get3A_1496, %mul3A_1497 : vector<32x128xf32>
      %sub3A_1499 = arith.constant 1.000000e+00 : f32
      %sub3A_1500 = vector.broadcast %sub3A_1499 : f32 to vector<32x128xf32>
      %sub3A_1501 = arith.subf %sub3A_1500, %mul3A_1498 : vector<32x128xf32>
      %mul3A_1502 = arith.mulf %mul3A_1490, %sub3A_1501 : vector<32x128xf32>
      %slice3A_1503 = vector.extract_strided_slice %mul3A_1502 {offsets = [0, 119], sizes = [32, 1], strides = [1, 1]} : vector<32x128xf32> to vector<32x1xf32>
      %get3A_1504 = arith.constant 0 : index
      %get3A_1505 = arith.constant 119 : index
      %get3A_1506 = arith.constant 0 : index
      %get3A_1507 = vector.load %arg7[%get3A_1504, %get3A_1505, %get3A_1506] : memref<32x128x128xf32, #tpu.memory_space<vmem>>, vector<32x1x128xf32>
      %get3A_1508 = vector.shape_cast %get3A_1507 : vector<32x1x128xf32> to vector<32x128xf32>
      %mul3A_1509 = vector.broadcast %slice3A_1503 : vector<32x1xf32> to vector<32x128xf32>
      %mul3A_1510 = arith.mulf %get3A_1508, %mul3A_1509 : vector<32x128xf32>
      %sub3A_1511 = arith.constant 1.000000e+00 : f32
      %sub3A_1512 = vector.broadcast %sub3A_1511 : f32 to vector<32x128xf32>
      %sub3A_1513 = arith.subf %sub3A_1512, %mul3A_1510 : vector<32x128xf32>
      %mul3A_1514 = arith.mulf %mul3A_1502, %sub3A_1513 : vector<32x128xf32>
      %slice3A_1515 = vector.extract_strided_slice %mul3A_1514 {offsets = [0, 120], sizes = [32, 1], strides = [1, 1]} : vector<32x128xf32> to vector<32x1xf32>
      %get3A_1516 = arith.constant 0 : index
      %get3A_1517 = arith.constant 120 : index
      %get3A_1518 = arith.constant 0 : index
      %get3A_1519 = vector.load %arg7[%get3A_1516, %get3A_1517, %get3A_1518] : memref<32x128x128xf32, #tpu.memory_space<vmem>>, vector<32x1x128xf32>
      %get3A_1520 = vector.shape_cast %get3A_1519 : vector<32x1x128xf32> to vector<32x128xf32>
      %mul3A_1521 = vector.broadcast %slice3A_1515 : vector<32x1xf32> to vector<32x128xf32>
      %mul3A_1522 = arith.mulf %get3A_1520, %mul3A_1521 : vector<32x128xf32>
      %sub3A_1523 = arith.constant 1.000000e+00 : f32
      %sub3A_1524 = vector.broadcast %sub3A_1523 : f32 to vector<32x128xf32>
      %sub3A_1525 = arith.subf %sub3A_1524, %mul3A_1522 : vector<32x128xf32>
      %mul3A_1526 = arith.mulf %mul3A_1514, %sub3A_1525 : vector<32x128xf32>
      %slice3A_1527 = vector.extract_strided_slice %mul3A_1526 {offsets = [0, 121], sizes = [32, 1], strides = [1, 1]} : vector<32x128xf32> to vector<32x1xf32>
      %get3A_1528 = arith.constant 0 : index
      %get3A_1529 = arith.constant 121 : index
      %get3A_1530 = arith.constant 0 : index
      %get3A_1531 = vector.load %arg7[%get3A_1528, %get3A_1529, %get3A_1530] : memref<32x128x128xf32, #tpu.memory_space<vmem>>, vector<32x1x128xf32>
      %get3A_1532 = vector.shape_cast %get3A_1531 : vector<32x1x128xf32> to vector<32x128xf32>
      %mul3A_1533 = vector.broadcast %slice3A_1527 : vector<32x1xf32> to vector<32x128xf32>
      %mul3A_1534 = arith.mulf %get3A_1532, %mul3A_1533 : vector<32x128xf32>
      %sub3A_1535 = arith.constant 1.000000e+00 : f32
      %sub3A_1536 = vector.broadcast %sub3A_1535 : f32 to vector<32x128xf32>
      %sub3A_1537 = arith.subf %sub3A_1536, %mul3A_1534 : vector<32x128xf32>
      %mul3A_1538 = arith.mulf %mul3A_1526, %sub3A_1537 : vector<32x128xf32>
      %slice3A_1539 = vector.extract_strided_slice %mul3A_1538 {offsets = [0, 122], sizes = [32, 1], strides = [1, 1]} : vector<32x128xf32> to vector<32x1xf32>
      %get3A_1540 = arith.constant 0 : index
      %get3A_1541 = arith.constant 122 : index
      %get3A_1542 = arith.constant 0 : index
      %get3A_1543 = vector.load %arg7[%get3A_1540, %get3A_1541, %get3A_1542] : memref<32x128x128xf32, #tpu.memory_space<vmem>>, vector<32x1x128xf32>
      %get3A_1544 = vector.shape_cast %get3A_1543 : vector<32x1x128xf32> to vector<32x128xf32>
      %mul3A_1545 = vector.broadcast %slice3A_1539 : vector<32x1xf32> to vector<32x128xf32>
      %mul3A_1546 = arith.mulf %get3A_1544, %mul3A_1545 : vector<32x128xf32>
      %sub3A_1547 = arith.constant 1.000000e+00 : f32
      %sub3A_1548 = vector.broadcast %sub3A_1547 : f32 to vector<32x128xf32>
      %sub3A_1549 = arith.subf %sub3A_1548, %mul3A_1546 : vector<32x128xf32>
      %mul3A_1550 = arith.mulf %mul3A_1538, %sub3A_1549 : vector<32x128xf32>
      %slice3A_1551 = vector.extract_strided_slice %mul3A_1550 {offsets = [0, 123], sizes = [32, 1], strides = [1, 1]} : vector<32x128xf32> to vector<32x1xf32>
      %get3A_1552 = arith.constant 0 : index
      %get3A_1553 = arith.constant 123 : index
      %get3A_1554 = arith.constant 0 : index
      %get3A_1555 = vector.load %arg7[%get3A_1552, %get3A_1553, %get3A_1554] : memref<32x128x128xf32, #tpu.memory_space<vmem>>, vector<32x1x128xf32>
      %get3A_1556 = vector.shape_cast %get3A_1555 : vector<32x1x128xf32> to vector<32x128xf32>
      %mul3A_1557 = vector.broadcast %slice3A_1551 : vector<32x1xf32> to vector<32x128xf32>
      %mul3A_1558 = arith.mulf %get3A_1556, %mul3A_1557 : vector<32x128xf32>
      %sub3A_1559 = arith.constant 1.000000e+00 : f32
      %sub3A_1560 = vector.broadcast %sub3A_1559 : f32 to vector<32x128xf32>
      %sub3A_1561 = arith.subf %sub3A_1560, %mul3A_1558 : vector<32x128xf32>
      %mul3A_1562 = arith.mulf %mul3A_1550, %sub3A_1561 : vector<32x128xf32>
      %slice3A_1563 = vector.extract_strided_slice %mul3A_1562 {offsets = [0, 124], sizes = [32, 1], strides = [1, 1]} : vector<32x128xf32> to vector<32x1xf32>
      %get3A_1564 = arith.constant 0 : index
      %get3A_1565 = arith.constant 124 : index
      %get3A_1566 = arith.constant 0 : index
      %get3A_1567 = vector.load %arg7[%get3A_1564, %get3A_1565, %get3A_1566] : memref<32x128x128xf32, #tpu.memory_space<vmem>>, vector<32x1x128xf32>
      %get3A_1568 = vector.shape_cast %get3A_1567 : vector<32x1x128xf32> to vector<32x128xf32>
      %mul3A_1569 = vector.broadcast %slice3A_1563 : vector<32x1xf32> to vector<32x128xf32>
      %mul3A_1570 = arith.mulf %get3A_1568, %mul3A_1569 : vector<32x128xf32>
      %sub3A_1571 = arith.constant 1.000000e+00 : f32
      %sub3A_1572 = vector.broadcast %sub3A_1571 : f32 to vector<32x128xf32>
      %sub3A_1573 = arith.subf %sub3A_1572, %mul3A_1570 : vector<32x128xf32>
      %mul3A_1574 = arith.mulf %mul3A_1562, %sub3A_1573 : vector<32x128xf32>
      %slice3A_1575 = vector.extract_strided_slice %mul3A_1574 {offsets = [0, 125], sizes = [32, 1], strides = [1, 1]} : vector<32x128xf32> to vector<32x1xf32>
      %get3A_1576 = arith.constant 0 : index
      %get3A_1577 = arith.constant 125 : index
      %get3A_1578 = arith.constant 0 : index
      %get3A_1579 = vector.load %arg7[%get3A_1576, %get3A_1577, %get3A_1578] : memref<32x128x128xf32, #tpu.memory_space<vmem>>, vector<32x1x128xf32>
      %get3A_1580 = vector.shape_cast %get3A_1579 : vector<32x1x128xf32> to vector<32x128xf32>
      %mul3A_1581 = vector.broadcast %slice3A_1575 : vector<32x1xf32> to vector<32x128xf32>
      %mul3A_1582 = arith.mulf %get3A_1580, %mul3A_1581 : vector<32x128xf32>
      %sub3A_1583 = arith.constant 1.000000e+00 : f32
      %sub3A_1584 = vector.broadcast %sub3A_1583 : f32 to vector<32x128xf32>
      %sub3A_1585 = arith.subf %sub3A_1584, %mul3A_1582 : vector<32x128xf32>
      %mul3A_1586 = arith.mulf %mul3A_1574, %sub3A_1585 : vector<32x128xf32>
      %slice3A_1587 = vector.extract_strided_slice %mul3A_1586 {offsets = [0, 126], sizes = [32, 1], strides = [1, 1]} : vector<32x128xf32> to vector<32x1xf32>
      %get3A_1588 = arith.constant 0 : index
      %get3A_1589 = arith.constant 126 : index
      %get3A_1590 = arith.constant 0 : index
      %get3A_1591 = vector.load %arg7[%get3A_1588, %get3A_1589, %get3A_1590] : memref<32x128x128xf32, #tpu.memory_space<vmem>>, vector<32x1x128xf32>
      %get3A_1592 = vector.shape_cast %get3A_1591 : vector<32x1x128xf32> to vector<32x128xf32>
      %mul3A_1593 = vector.broadcast %slice3A_1587 : vector<32x1xf32> to vector<32x128xf32>
      %mul3A_1594 = arith.mulf %get3A_1592, %mul3A_1593 : vector<32x128xf32>
      %sub3A_1595 = arith.constant 1.000000e+00 : f32
      %sub3A_1596 = vector.broadcast %sub3A_1595 : f32 to vector<32x128xf32>
      %sub3A_1597 = arith.subf %sub3A_1596, %mul3A_1594 : vector<32x128xf32>
      %mul3A_1598 = arith.mulf %mul3A_1586, %sub3A_1597 : vector<32x128xf32>
      %slice3A_1599 = vector.extract_strided_slice %mul3A_1598 {offsets = [0, 127], sizes = [32, 1], strides = [1, 1]} : vector<32x128xf32> to vector<32x1xf32>
      %get3A_1600 = arith.constant 0 : index
      %get3A_1601 = arith.constant 127 : index
      %get3A_1602 = arith.constant 0 : index
      %get3A_1603 = vector.load %arg7[%get3A_1600, %get3A_1601, %get3A_1602] : memref<32x128x128xf32, #tpu.memory_space<vmem>>, vector<32x1x128xf32>
      %get3A_1604 = vector.shape_cast %get3A_1603 : vector<32x1x128xf32> to vector<32x128xf32>
      %mul3A_1605 = vector.broadcast %slice3A_1599 : vector<32x1xf32> to vector<32x128xf32>
      %mul3A_1606 = arith.mulf %get3A_1604, %mul3A_1605 : vector<32x128xf32>
      %sub3A_1607 = arith.constant 1.000000e+00 : f32
      %sub3A_1608 = vector.broadcast %sub3A_1607 : f32 to vector<32x128xf32>
      %sub3A_1609 = arith.subf %sub3A_1608, %mul3A_1606 : vector<32x128xf32>
      %mul3A_1610 = arith.mulf %mul3A_1598, %sub3A_1609 : vector<32x128xf32>
      %swap3A_1611 = arith.constant 0 : index
      %swap3A_1612 = arith.index_cast %mul3A_10 : i32 to index
      %swap3A_1613 = vector.load %arg6[%swap3A_1611, %swap3A_1612] : memref<32x5120xf32, #tpu.memory_space<vmem>>, vector<32x128xf32>
      tpu.vector_store %arg6[%swap3A_1611, %swap3A_1612], %mul3A_1610 {strides = array<i32>} : memref<32x5120xf32, #tpu.memory_space<vmem>>, vector<32x128xf32>,
      %gt3A_1614 = arith.constant 0.000000e+00 : f32
      %gt3A_1615 = vector.broadcast %gt3A_1614 : f32 to vector<32x128xf32>
      %gt3A_1616 = arith.cmpf ogt, %mul3A_1610, %gt3A_1615 : vector<32x128xf32>
      %jit3A_1617 = arith.constant 1.000000e+30 : f32
      %broadcast_in_dim3A_1618 = vector.broadcast %jit3A_1617 : f32 to vector<32x128xf32>
      %select_n3A_1619 = arith.select %gt3A_1616, %select_n3A, %broadcast_in_dim3A_1618 : vector<32x128xi1>, vector<32x128xf32>
      %broadcast_in_dim3A_1620 = vector.shape_cast %get3A_12 : vector<32x128xf32> to vector<32x128x1xf32>
      %broadcast_in_dim3A_1621 = vector.shape_cast %get3A_15 : vector<32x128xf32> to vector<32x128x1xf32>
      %broadcast_in_dim3A_1622 = vector.shape_cast %get3A_18 : vector<32x128xf32> to vector<32x128x1xf32>
      %broadcast_in_dim3A_1623 = vector.shape_cast %get3A_21 : vector<32x128xf32> to vector<32x128x1xf32>
      %broadcast_in_dim3A_1624 = vector.shape_cast %select_n3A_1619 : vector<32x128xf32> to vector<32x128x1xf32>
      %add3A_1625 = arith.constant 1 : i32
      %add3A_1626 = arith.addi %scan3A_9, %add3A_1625 : i32
      %while3A = arith.constant 0 : i32
      %while3A_1627 = arith.constant 40 : i32
      %while3A_1628 = arith.subi %while3A_1627, %add3A_1626 : i32
      %while3A_1629 = arith.addi %add3A_1626, %while3A_1628 : i32
      %while3A_1630 = arith.constant 1 : i32
      %while3A_1631 = arith.divsi %while3A_1628, %while3A_1630 : i32
      %while3A_1632 = arith.muli %while3A_1631, %while3A_1630 : i32
      %while3A_1633 = arith.addi %add3A_1626, %while3A_1632 : i32
      %while3A_1634 = arith.constant 1 : i32
      scf.for %while3A_1636 = %add3A_1626 to %while3A_1633 step %while3A_1634  : i32 {
        %mul3A_1637 = arith.constant 128 : i32
        %mul3A_1638 = arith.muli %while3A_1636, %mul3A_1637 : i32
        %get3A_1639 = arith.constant 0 : index
        %get3A_1640 = arith.index_cast %mul3A_1638 : i32 to index
        %get3A_1641 = vector.load %arg0[%get3A_1639, %get3A_1640] : memref<32x5120xf32, #tpu.memory_space<vmem>>, vector<32x128xf32>
        %broadcast_in_dim3A_1642 = vector.shape_cast %get3A_1641 : vector<32x128xf32> to vector<32x1x128xf32>
        %get3A_1643 = arith.constant 0 : index
        %get3A_1644 = arith.index_cast %mul3A_1638 : i32 to index
        %get3A_1645 = vector.load %arg1[%get3A_1643, %get3A_1644] : memref<32x5120xf32, #tpu.memory_space<vmem>>, vector<32x128xf32>
        %broadcast_in_dim3A_1646 = vector.shape_cast %get3A_1645 : vector<32x128xf32> to vector<32x1x128xf32>
        %get3A_1647 = arith.constant 0 : index
        %get3A_1648 = arith.index_cast %mul3A_1638 : i32 to index
        %get3A_1649 = vector.load %arg2[%get3A_1647, %get3A_1648] : memref<32x5120xf32, #tpu.memory_space<vmem>>, vector<32x128xf32>
        %broadcast_in_dim3A_1650 = vector.shape_cast %get3A_1649 : vector<32x128xf32> to vector<32x1x128xf32>
        %get3A_1651 = arith.constant 0 : index
        %get3A_1652 = arith.index_cast %mul3A_1638 : i32 to index
        %get3A_1653 = vector.load %arg3[%get3A_1651, %get3A_1652] : memref<32x5120xf32, #tpu.memory_space<vmem>>, vector<32x128xf32>
        %broadcast_in_dim3A_1654 = vector.shape_cast %get3A_1653 : vector<32x128xf32> to vector<32x1x128xf32>
        %get3A_1655 = arith.constant 0 : index
        %get3A_1656 = arith.index_cast %mul3A_1638 : i32 to index
        %get3A_1657 = vector.load %arg4[%get3A_1655, %get3A_1656] : memref<32x5120xf32, #tpu.memory_space<vmem>>, vector<32x128xf32>
        %broadcast_in_dim3A_1658 = vector.shape_cast %get3A_1657 : vector<32x128xf32> to vector<32x1x128xf32>
        %min3A_1659 = vector.broadcast %broadcast_in_dim3A_1622 : vector<32x128x1xf32> to vector<32x128x128xf32>
        %min3A_1660 = vector.broadcast %broadcast_in_dim3A_1650 : vector<32x1x128xf32> to vector<32x128x128xf32>
        %min3A_1661 = arith.minimumf %min3A_1659, %min3A_1660 : vector<32x128x128xf32>
        %max3A_1662 = vector.broadcast %broadcast_in_dim3A_1620 : vector<32x128x1xf32> to vector<32x128x128xf32>
        %max3A_1663 = vector.broadcast %broadcast_in_dim3A_1642 : vector<32x1x128xf32> to vector<32x128x128xf32>
        %max3A_1664 = arith.maximumf %max3A_1662, %max3A_1663 : vector<32x128x128xf32>
        %sub3A_1665 = arith.subf %min3A_1661, %max3A_1664 : vector<32x128x128xf32>
        %max3A_1666 = arith.constant 0.000000e+00 : f32
        %max3A_1667 = vector.broadcast %max3A_1666 : f32 to vector<32x128x128xf32>
        %max3A_1668 = arith.maximumf %sub3A_1665, %max3A_1667 : vector<32x128x128xf32>
        %min3A_1669 = vector.broadcast %broadcast_in_dim3A_1623 : vector<32x128x1xf32> to vector<32x128x128xf32>
        %min3A_1670 = vector.broadcast %broadcast_in_dim3A_1654 : vector<32x1x128xf32> to vector<32x128x128xf32>
        %min3A_1671 = arith.minimumf %min3A_1669, %min3A_1670 : vector<32x128x128xf32>
        %max3A_1672 = vector.broadcast %broadcast_in_dim3A_1621 : vector<32x128x1xf32> to vector<32x128x128xf32>
        %max3A_1673 = vector.broadcast %broadcast_in_dim3A_1646 : vector<32x1x128xf32> to vector<32x128x128xf32>
        %max3A_1674 = arith.maximumf %max3A_1672, %max3A_1673 : vector<32x128x128xf32>
        %sub3A_1675 = arith.subf %min3A_1671, %max3A_1674 : vector<32x128x128xf32>
        %mul3A_1676 = arith.mulf %max3A_1668, %sub3A_1675 : vector<32x128x128xf32>
        %add3A_1677 = vector.broadcast %broadcast_in_dim3A_1624 : vector<32x128x1xf32> to vector<32x128x128xf32>
        %add3A_1678 = vector.broadcast %broadcast_in_dim3A_1658 : vector<32x1x128xf32> to vector<32x128x128xf32>
        %add3A_1679 = arith.addf %add3A_1677, %add3A_1678 : vector<32x128x128xf32>
        %sub3A_1680 = arith.subf %mul3A_1676, %add3A_1679 : vector<32x128x128xf32>
        %reduce_max3A = arith.constant dense<0xFF800000> : vector<32x128xf32>
        %reduce_max3A_1681 = vector.multi_reduction <maximumf>, %sub3A_1680, %reduce_max3A [1] : vector<32x128x128xf32> to vector<32x128xf32>
        %get3A_1682 = arith.constant 0 : index
        %get3A_1683 = arith.index_cast %mul3A_1638 : i32 to index
        %get3A_1684 = vector.load %arg6[%get3A_1682, %get3A_1683] : memref<32x5120xf32, #tpu.memory_space<vmem>>, vector<32x128xf32>
        %gt3A_1685 = arith.constant 0.000000e+00 : f32
        %gt3A_1686 = vector.broadcast %gt3A_1685 : f32 to vector<32x128xf32>
        %gt3A_1687 = arith.cmpf ogt, %reduce_max3A_1681, %gt3A_1686 : vector<32x128xf32>
        %jit3A_1688 = arith.constant 0.000000e+00 : f32
        %broadcast_in_dim3A_1689 = vector.broadcast %jit3A_1688 : f32 to vector<32x128xf32>
        %select_n3A_1690 = arith.select %gt3A_1687, %broadcast_in_dim3A_1689, %get3A_1684 : vector<32x128xi1>, vector<32x128xf32>
        %swap3A_1691 = arith.constant 0 : index
        %swap3A_1692 = arith.index_cast %mul3A_1638 : i32 to index
        %swap3A_1693 = vector.load %arg6[%swap3A_1691, %swap3A_1692] : memref<32x5120xf32, #tpu.memory_space<vmem>>, vector<32x128xf32>
        tpu.vector_store %arg6[%swap3A_1691, %swap3A_1692], %select_n3A_1690 {strides = array<i32>} : memref<32x5120xf32, #tpu.memory_space<vmem>>, vector<32x128xf32>,
      }
      %while3A_1635 = arith.constant 1 : i32
      scf.for %while3A_1636 = %while3A_1633 to %while3A_1629 step %while3A_1635  : i32 {
        %mul3A_1637 = arith.constant 128 : i32
        %mul3A_1638 = arith.muli %while3A_1636, %mul3A_1637 : i32
        %get3A_1639 = arith.constant 0 : index
        %get3A_1640 = arith.index_cast %mul3A_1638 : i32 to index
        %get3A_1641 = vector.load %arg0[%get3A_1639, %get3A_1640] : memref<32x5120xf32, #tpu.memory_space<vmem>>, vector<32x128xf32>
        %broadcast_in_dim3A_1642 = vector.shape_cast %get3A_1641 : vector<32x128xf32> to vector<32x1x128xf32>
        %get3A_1643 = arith.constant 0 : index
        %get3A_1644 = arith.index_cast %mul3A_1638 : i32 to index
        %get3A_1645 = vector.load %arg1[%get3A_1643, %get3A_1644] : memref<32x5120xf32, #tpu.memory_space<vmem>>, vector<32x128xf32>
        %broadcast_in_dim3A_1646 = vector.shape_cast %get3A_1645 : vector<32x128xf32> to vector<32x1x128xf32>
        %get3A_1647 = arith.constant 0 : index
        %get3A_1648 = arith.index_cast %mul3A_1638 : i32 to index
        %get3A_1649 = vector.load %arg2[%get3A_1647, %get3A_1648] : memref<32x5120xf32, #tpu.memory_space<vmem>>, vector<32x128xf32>
        %broadcast_in_dim3A_1650 = vector.shape_cast %get3A_1649 : vector<32x128xf32> to vector<32x1x128xf32>
        %get3A_1651 = arith.constant 0 : index
        %get3A_1652 = arith.index_cast %mul3A_1638 : i32 to index
        %get3A_1653 = vector.load %arg3[%get3A_1651, %get3A_1652] : memref<32x5120xf32, #tpu.memory_space<vmem>>, vector<32x128xf32>
        %broadcast_in_dim3A_1654 = vector.shape_cast %get3A_1653 : vector<32x128xf32> to vector<32x1x128xf32>
        %get3A_1655 = arith.constant 0 : index
        %get3A_1656 = arith.index_cast %mul3A_1638 : i32 to index
        %get3A_1657 = vector.load %arg4[%get3A_1655, %get3A_1656] : memref<32x5120xf32, #tpu.memory_space<vmem>>, vector<32x128xf32>
        %broadcast_in_dim3A_1658 = vector.shape_cast %get3A_1657 : vector<32x128xf32> to vector<32x1x128xf32>
        %min3A_1659 = vector.broadcast %broadcast_in_dim3A_1622 : vector<32x128x1xf32> to vector<32x128x128xf32>
        %min3A_1660 = vector.broadcast %broadcast_in_dim3A_1650 : vector<32x1x128xf32> to vector<32x128x128xf32>
        %min3A_1661 = arith.minimumf %min3A_1659, %min3A_1660 : vector<32x128x128xf32>
        %max3A_1662 = vector.broadcast %broadcast_in_dim3A_1620 : vector<32x128x1xf32> to vector<32x128x128xf32>
        %max3A_1663 = vector.broadcast %broadcast_in_dim3A_1642 : vector<32x1x128xf32> to vector<32x128x128xf32>
        %max3A_1664 = arith.maximumf %max3A_1662, %max3A_1663 : vector<32x128x128xf32>
        %sub3A_1665 = arith.subf %min3A_1661, %max3A_1664 : vector<32x128x128xf32>
        %max3A_1666 = arith.constant 0.000000e+00 : f32
        %max3A_1667 = vector.broadcast %max3A_1666 : f32 to vector<32x128x128xf32>
        %max3A_1668 = arith.maximumf %sub3A_1665, %max3A_1667 : vector<32x128x128xf32>
        %min3A_1669 = vector.broadcast %broadcast_in_dim3A_1623 : vector<32x128x1xf32> to vector<32x128x128xf32>
        %min3A_1670 = vector.broadcast %broadcast_in_dim3A_1654 : vector<32x1x128xf32> to vector<32x128x128xf32>
        %min3A_1671 = arith.minimumf %min3A_1669, %min3A_1670 : vector<32x128x128xf32>
        %max3A_1672 = vector.broadcast %broadcast_in_dim3A_1621 : vector<32x128x1xf32> to vector<32x128x128xf32>
        %max3A_1673 = vector.broadcast %broadcast_in_dim3A_1646 : vector<32x1x128xf32> to vector<32x128x128xf32>
        %max3A_1674 = arith.maximumf %max3A_1672, %max3A_1673 : vector<32x128x128xf32>
        %sub3A_1675 = arith.subf %min3A_1671, %max3A_1674 : vector<32x128x128xf32>
        %mul3A_1676 = arith.mulf %max3A_1668, %sub3A_1675 : vector<32x128x128xf32>
        %add3A_1677 = vector.broadcast %broadcast_in_dim3A_1624 : vector<32x128x1xf32> to vector<32x128x128xf32>
        %add3A_1678 = vector.broadcast %broadcast_in_dim3A_1658 : vector<32x1x128xf32> to vector<32x128x128xf32>
        %add3A_1679 = arith.addf %add3A_1677, %add3A_1678 : vector<32x128x128xf32>
        %sub3A_1680 = arith.subf %mul3A_1676, %add3A_1679 : vector<32x128x128xf32>
        %reduce_max3A = arith.constant dense<0xFF800000> : vector<32x128xf32>
        %reduce_max3A_1681 = vector.multi_reduction <maximumf>, %sub3A_1680, %reduce_max3A [1] : vector<32x128x128xf32> to vector<32x128xf32>
        %get3A_1682 = arith.constant 0 : index
        %get3A_1683 = arith.index_cast %mul3A_1638 : i32 to index
        %get3A_1684 = vector.load %arg6[%get3A_1682, %get3A_1683] : memref<32x5120xf32, #tpu.memory_space<vmem>>, vector<32x128xf32>
        %gt3A_1685 = arith.constant 0.000000e+00 : f32
        %gt3A_1686 = vector.broadcast %gt3A_1685 : f32 to vector<32x128xf32>
        %gt3A_1687 = arith.cmpf ogt, %reduce_max3A_1681, %gt3A_1686 : vector<32x128xf32>
        %jit3A_1688 = arith.constant 0.000000e+00 : f32
        %broadcast_in_dim3A_1689 = vector.broadcast %jit3A_1688 : f32 to vector<32x128xf32>
        %select_n3A_1690 = arith.select %gt3A_1687, %broadcast_in_dim3A_1689, %get3A_1684 : vector<32x128xi1>, vector<32x128xf32>
        %swap3A_1691 = arith.constant 0 : index
        %swap3A_1692 = arith.index_cast %mul3A_1638 : i32 to index
        %swap3A_1693 = vector.load %arg6[%swap3A_1691, %swap3A_1692] : memref<32x5120xf32, #tpu.memory_space<vmem>>, vector<32x128xf32>
        tpu.vector_store %arg6[%swap3A_1691, %swap3A_1692], %select_n3A_1690 {strides = array<i32>} : memref<32x5120xf32, #tpu.memory_space<vmem>>, vector<32x128xf32>,
      }
    }
    %scan3A_8 = arith.constant 40 : i32
    return
  }
}

</mosaic_0001>

<sc_bundles>
// kernel: gather_offload_async_start.1
scs
__scs_entry_jumppad:
0x0: {  	(pc) =	sbr.rel $0x88, $3  }
0x1: {  	(tag) =	ssettag $0x0;
	lr =	simm.s32 $0x1  }
0x2: {  	[smem:$0x3F9F] =	sst lr;
	_ =	strace $0xD0000000  }
0x3: {  	_ = 	snop  }
0x4: {  	_ = 	snop  }
0x5: {  	_ = 	snop  }
0x6: {  	_ = 	snop  }
0x7: {  	_ = 	snop  }
__scs_overlays_trampoline_lowered:
0x8: {  	[smem:$0x3FAE] =	sst s0  }
0x9: {  	[smem:$0x3FAF] =	sst s1  }
0xa: {  	[smem:$0x3FB0] =	sst s2  }
0xb: {  	[smem:$0x3FB1] =	sst s3  }
0xc: {  	[smem:$0x3FB2] =	sst s4  }
0xd: {  	[smem:$0x3FB3] =	sst s5  }
0xe: {  	[smem:$0x3FB4] =	sst s6  }
0xf: {  	[smem:$0x3FB5] =	sst s7  }
0x10: {  	[smem:$0x3FB6] =	sst s8  }
0x11: {  	[smem:$0x3FB7] =	sst s9;
	s0 =	simm.s32 @!p0 $0x0  }
0x12: {  	s1 =	sld [smem:$0x3F9D];
	s0 =	simm.s32 @p0 $0x1  }
0x13: {  	[smem:$0x3FB8] =	sst s0;
	s0 =	simm.s32 @!p1 $0x0  }
0x14: {  	s2 =	sld [smem:$0x3F9C];
	s0 =	simm.s32 @p1 $0x1  }
0x15: {  	[smem:$0x3FB9] =	sst s0;
	s0 =	simm.s32 @!p2 $0x0  }
0x16: {  	s3 =	sld [smem:$0x3FDB];
	s0 =	simm.s32 @p2 $0x1  }
0x17: {  	s4 =	simm.s32 $0x1BF5;
	[smem:$0x3FBB] =	sst s0  }
0x18: {  	s0 =	sld [smem:$0x3F9E];
	_ =	swait.ge [sflag:s4], $0x0  }
0x19: {  	s7 =	sld [smem:$0x3F9F]  }
0x1a: {  	s8 =	sadd.s32 $0xFFFFE003, lr  }
0x1b: {  	s9 =	sadd.s32 $0xFFFFFEF7, lr;
	s5 =	simm.s32 $0xFFFFFFFF;
	p2 =	slt.u32 s8, $0xFFFFF086  }
0x1c: {  	p1 =	slt.u32 s9, $0xF7A;
	s5 =	simm.s32 @!p2 $0x0  }
0x1d: {  	s5 =	simm.s32 @p1 $0x1;
	p0 =	seq.s32 s7, s2  }
0x1e: {  	s7 =	smul.u32 @!p0 $0xF7A, s2;
	p2 =	seq.s32 @!p0 s5, $0x0  }
0x1f: {  	s9 =	smul.u32 $0xF7A, s1;
	s8 =	simm.s32 @!p0 $0x1BF5;
	p2 =	por !p2, p0  }
0x20: {  	[sflag:s8] =	ssyncset.s32 @!p0 $0xFFFFF086;
	s6 =	sadd.s32 @!p0 s3, s7;
	s7 =	simm.s32 @!p0 $0x108  }
0x21: {  	s3 =	sadd.s32 s3, s9;
	s6 =	sadd.s32 @!p0 $0x88, s6;
	s7 =	simm.s32 @p2 $0x1082  }
0x22: {  	[simem:s7], [sflag:s8] =	dma.local @!p0 [hbm:s6], $0xF7A  }
0x23: {  	s9 =	sor.u32 $0xD0000000, s2;
	s6 =	simm.s32 $0x108;
	_ =	swait.ge @!p0 [sflag:s8], $0x0  }
0x24: {  	s3 =	sadd.s32 $0x88, s3;
	s6 =	simm.s32 @!p1 $0x1082;
	[sflag:s4] =	ssyncset.s32 $0xFFFFF086  }
0x25: {  	[simem:s6], [sflag:s4] =	dma.local [hbm:s3], $0xF7A  }
0x26: {  	[smem:$0x3F9F] =	sst s1;
	(tag) =	ssettag s2;
	_ =	strace s9  }
0x27: {  	s1 =	sld [smem:$0x3FAF]  }
0x28: {  	s2 =	sld [smem:$0x3FB0]  }
0x29: {  	s4 =	sld [smem:$0x3FB2]  }
0x2a: {  	p0 =	seq.s32 s5, $0x0;
	s5 =	sld [smem:$0x3FB3]  }
0x2b: {  	s6 =	sld [smem:$0x3FB4]  }
0x2c: {  	s7 =	sld [smem:$0x3FB5]  }
0x2d: {  	s3 =	simm.s32 $0x108;
	s8 =	sld [smem:$0x3FB6]  }
0x2e: {  	s3 =	simm.s32 @!p0 $0x1082;
	s9 =	sld [smem:$0x3FB7]  }
0x2f: {  	lr =	sadd.s32 s0, s3;
	s0 =	sld [smem:$0x3FAE]  }
0x30: {  	s3 =	sld [smem:$0x3FB1]  }
0x31: {  	[smem:$0x3FBA] =	sst s10  }
0x32: {  	s10 =	sld [smem:$0x3FB8];
	_ =	sdelay $0x3  }
0x33: {  	p0 =	seq.s32 s10, $0x1;
	s10 =	sld [smem:$0x3FBA];
	_ =	sdelay $0x3  }
0x34: {  	[smem:$0x3FBA] =	sst s10  }
0x35: {  	s10 =	sld [smem:$0x3FB9];
	_ =	sdelay $0x3  }
0x36: {  	p1 =	seq.s32 s10, $0x1;
	s10 =	sld [smem:$0x3FBA];
	_ =	sdelay $0x3  }
0x37: {  	[smem:$0x3FBA] =	sst s10  }
0x38: {  	s10 =	sld [smem:$0x3FBB]  }
0x39: {  	_ = 	snop;
	(pc) =	sbr.ind lr, $3  }
0x3a: {  	_ = 	snop  }
0x3b: {  	_ = 	snop  }
0x3c: {  	p2 =	seq.s32 s10, $0x1;
	s10 =	sld [smem:$0x3FBA]  }
0x3d: {  	_ =	shalt  }
0x3e: {  	_ =	shalt  }
0x3f: {  	_ =	shalt  }
0x40: {  	_ =	shalt  }
0x41: {  	_ =	shalt  }
0x42: {  	_ =	shalt  }
0x43: {  	_ =	shalt  }
0x44: {  	_ =	shalt  }
0x45: {  	_ =	shalt  }
0x46: {  	_ =	shalt  }
0x47: {  	_ =	shalt  }
0x48: {  	_ =	shalt  }
0x49: {  	_ =	shalt  }
0x4a: {  	_ =	shalt  }
0x4b: {  	_ =	shalt  }
0x4c: {  	_ =	shalt  }
0x4d: {  	_ =	shalt  }
0x4e: {  	_ =	shalt  }
0x4f: {  	_ =	shalt  }
0x50: {  	_ =	shalt  }
0x51: {  	_ =	shalt  }
0x52: {  	_ =	shalt  }
0x53: {  	_ =	shalt  }
0x54: {  	_ =	shalt  }
0x55: {  	_ =	shalt  }
0x56: {  	_ =	shalt  }
0x57: {  	_ =	shalt  }
0x58: {  	_ =	shalt  }
0x59: {  	_ =	shalt  }
0x5a: {  	_ =	shalt  }
0x5b: {  	_ =	shalt  }
0x5c: {  	_ =	shalt  }
0x5d: {  	_ =	shalt  }
0x5e: {  	_ =	shalt  }
0x5f: {  	_ =	shalt  }
0x60: {  	_ =	shalt  }
0x61: {  	_ =	shalt  }
0x62: {  	_ =	shalt  }
0x63: {  	_ =	shalt  }
0x64: {  	_ =	shalt  }
0x65: {  	_ =	shalt  }
0x66: {  	_ =	shalt  }
0x67: {  	_ =	shalt  }
0x68: {  	_ =	shalt  }
0x69: {  	_ =	shalt  }
0x6a: {  	_ =	shalt  }
0x6b: {  	_ =	shalt  }
0x6c: {  	_ =	shalt  }
0x6d: {  	_ =	shalt  }
0x6e: {  	_ =	shalt  }
0x6f: {  	_ =	shalt  }
0x70: {  	_ =	shalt  }
0x71: {  	_ =	shalt  }
0x72: {  	_ =	shalt  }
0x73: {  	_ =	shalt  }
0x74: {  	_ =	shalt  }
0x75: {  	_ =	shalt  }
0x76: {  	_ =	shalt  }
0x77: {  	_ =	shalt  }
0x78: {  	_ =	shalt  }
0x79: {  	_ =	shalt  }
0x7a: {  	_ =	shalt  }
0x7b: {  	_ =	shalt  }
0x7c: {  	_ =	shalt  }
0x7d: {  	_ =	shalt  }
0x7e: {  	_ =	shalt  }
0x7f: {  	_ =	shalt  }
0x80: {  	_ =	shalt  }
0x81: {  	_ =	shalt  }
0x82: {  	_ =	shalt  }
0x83: {  	_ =	shalt  }
0x84: {  	_ =	shalt  }
0x85: {  	_ =	shalt  }
0x86: {  	_ =	shalt  }
0x87: {  	_ =	shalt  }
.Lfunc_end0:
.L_simem_size_0:
called_computation.1_lowered:
.L_overlay_start_0:
0x88: {  	s2 =	sld [smem:$0x3FD9]  }
0x89: {  	s3 =	sld [smem:$0x3FFE];
	_ =	sdelay $0x1  }
0x8a: {  	s1 =	srdreg.scid  }
0x8b: {  	s0 =	sand.u32 $0x1, s1  }
0x8c: {  	s17 =	sshll.u32 s0, $0xA;
	s2 =	sadd.s32 s3, s2  }
0x8d: {  	s2 =	sadd.s32 s2, s17  }
0x8e: {  	[smem:$0x3FC6] =	sst s2  }
0x8f: {  	_ = 	snop  }
0x90: {  	s2 =	sld [smem:$0x3FD0];
	(tm) =	ssettm $0x1  }
0x91: {  	s18 =	sld [smem:$0x3FFB];
	_ =	sdelay $0x3  }
0x92: {  	_ =	strace s18  }
0x93: {  	s3 =	sld [smem:$0x3FFC];
	_ =	sdelay $0x3  }
0x94: {  	_ =	strace s3  }
0x95: {  	s3 =	sld [smem:$0x3FFD];
	_ =	sdelay $0x3  }
0x96: {  	_ =	strace s3  }
0x97: {  	_ =	strace $0x8FFFFFFF  }
0x98: {  	s19 =	sld [smem:$0x3FDB];
	_ =	sdelay $0x1  }
0x99: {  	s4 =	simm.s32 $_scs_section_size  }
0x9a: {  	s5 =	simm.s32 $_size__tile_overlayer_lowered;
	s6 =	simm.s32 $_tile_overlayer_lowered  }
0x9b: {  	s22 =	simm.s32 $0x1BFF;
	s21 =	sshll.u32 s6, $0x1;
	s3 =	sadd.s32 s4, s19  }
0x9c: {  	s7 =	simm.s32 $0x0;
	s20 =	sshll.u32 s5, $0x1;
	s5 =	sadd.s32 s21, s3  }
0x9d: {  	[timem:s7], [sflag:s22] =	dma.local [hbm:s5], s20  }
0x9e: {  	_ =	swait.ge [sflag:s22], s20  }
0x9f: {  	s4 =	ssub.s32 $0x0, s20;
	[sflag:s22] =	ssyncset.done $0x0  }
0xa0: {  	[sflag:s22] =	ssyncadd.s32 s4;
	_ =	sdelay $0x1  }
0xa1: {  	s23 =	simm.s32 $0x1B8B  }
0xa2: {  	_ =	swait.ge [sflag:s23], $0x1  }
0xa3: {  	[sflag:s23] =	ssyncset.done $0x0  }
0xa4: {  	s25 =	simm.s32 $0x1B8E;
	s24 =	sld [smem:$0x3FFE];
	[sflag:s23] =	ssyncadd.s32 $0xFFFFFFFF  }
0xa5: {  	s26 =	simm.s32 $execute0_lowered;
	[smem:$0x3FD2] =	sst s25  }
0xa6: {  	s5 =	sshll.u32 s26, $0x1;
	_ =	strace $0x80000046;
	[dreg:$0x1] =	wrdreg $0xFFFFFFFF  }
0xa7: {  	s28 =	simm.s32 $_size_execute0_lowered;
	s3 =	sadd.s32 s3, s5;
	[dreg:$0x0] =	wrdreg $0x0  }
0xa8: {  	s5 =	sshll.u32 s28, $0x1;
	[dreg:$0x2] =	wrdreg s3  }
0xa9: {  	[dreg:$0x3] =	wrdreg s5  }
0xaa: {  	[dreg:$0x4] =	wrdreg $0xC0  }
0xab: {  	_ =	task [dreg:s7], $0x5FFFF  }
0xac: {  	[dreg:$0x1] =	wrdreg $0xFFFFFFFF  }
0xad: {  	[dreg:$0x0] =	wrdreg $0x60  }
0xae: {  	[dreg:$0x2] =	wrdreg s2  }
0xaf: {  	[dreg:$0x3] =	wrdreg s24  }
0xb0: {  	[dreg:$0x4] =	wrdreg $0x9  }
0xb1: {  	_ =	task.clear_ibuf [dreg:s7], $0x5FFFF;
	_ =	strace $0x90000046  }
0xb2: {  	s29 =	simm.s32 $0x9;
	_ =	strace $0x80000048  }
0xb3: {  	_ =	swait.ge [sflag:s29], $0x1  }
0xb4: {  	[sflag:s29] =	ssyncadd.s32 $0xFFFFFFFF  }
0xb5: {  	_ =	strace $0x90000048  }
0xb6: {  	_ =	sfence  }
0xb7: {  	s30 =	sld [smem:$0x0];
	_ =	sdelay $0x2  }
0xb8: {  	s31 =	sshll.u32 s1, $0xD;
	s1 =	sshrl.u32 s1, $0x2  }
0xb9: {  	s3 =	sand.u32 $0x4000, s31;
	s1 =	sadd.s32 s1, s30  }
0xba: {  	s0 =	sor.u32 s3, s0;
	s1 =	sshll.u32 s1, $0x11  }
0xbb: {  	s0 =	sor.u32 s1, s0  }
0xbc: {  	s0 =	sadd.s32 $0x8F2B, s0  }
0xbd: {  	[sflag:s0] =	ssyncadd.remote.s32 $0x1  }
0xbe: {  	_ =	sfence.sel $0xFFFF  }
0xbf: {  	[dreg:$0x0] =	wrdreg $0xFFFFFFFF;
	(pc) =	sbr.abs _section_cstart, $3  }
0xc0: {  	[dreg:$0x1] =	wrdreg $0xFFFFFFFF  }
0xc1: {  	_ =	task.clear_ibuf [dreg:s7], $0x2FFFF;
	_ =	strace $0x9FFFFFFF  }
0xc2: {  	(tm) =	ssettm $0x7FFFFFFF  }
0xc3: {  	_ =	shalt  }
tec
execute0_lowered:
.L_overlay_start_1:
0x0: {  	(tag) =	ssettag $0x1  }
0x1: {  	s2 =	rddreg [dreg:$0x0]  }
0x2: {  	s8 =	rddreg [dreg:$0x1]  }
0x3: {  	s0 =	rddreg [dreg:$0x2];
	s1 =	stileid.u32  }
0x4: {  	s3 =	srdreg.scid;
	_ =	strace $0x80000047;
	s4 =	simm.s32 $0x1  }
0x5: {  	s7 =	simm.s32 $0x1;
	s9 =	simm.s32 $0x1;
	s10 =	simm.s32 $0x3  }
0x6: {  	s13 =	simm.s32 $0x0;
	s5 =	sand.u32 $0x1, s3;
	s6 =	sshll.u32 s1, $0x1  }
0x7: {  	s12 =	simm.s32 $0x0;
	s3 =	sadd.s32 $0xA000, s8;
	s5 =	sor.u32 s6, s5  }
.Ltmp0:
0x8: {  	[sflag:s4] =	ssyncpa.u1 $0x0;
	p0 =	slt.u32 s5, $0x9;
	(pc) =	sbr.rel .LBB2_1-.Ltmp0, $4  }
0x9: {  	s6 =	simm.s32 $0x2;
	s7 =	simm.s32 @!p0 $0x0;
	p0 =	sne.s32 s5, $0x8  }
0xa: {  	[sflag:s6] =	ssyncpa.u1 $0x0;
	s5 =	smul.u32 $0xFA0, s5;
	s9 =	simm.s32 @!p0 $0x0  }
0xb: {  	s8 =	sadd.s32 $0xB0400, s8;
	[sflag:s10] =	ssyncpa.u1 $0x0;
	s7 =	sadd.s32 s9, s7  }
0xc: {  	vm0 =	vmmov $0xffff;
	s10 =	simm.s32 $0x0;
	s11 =	smov.u32 s5;
	s9 =	sadd.s32 $0x1, s7  }
.LBB2_4:
0xd: {  	vm1 =	veq.s32 v4, $0x80000000;
	v56 =	vand.u32 $0x1F, v4;
	v6 =	vand.u32 $0x1FFF, v6  }
0xe: {  	v2 =	vor.u32 v2, v5;
	v59 =	vshrl.u32 v1, $0x5;
	v60 =	vand.u32 $0x1F, v1  }
0xf: {  	v4 =	vsel vm1, $0xFFFFFFFF, v56;
	v6 =	vsel vm1, $0xFFFFFFFF, v6;
	v2 =	vor.u32 v3, v2  }
0x10: {  	vm1 =	veq.s32 v1, $0x80000000;
	v5 =	vand.u32 $0x1FFF, v59;
	v7 =	vshrl.u32 v4, $0x3  }
0x11: {  	v57 =	vshll.u32 v6, $0x3;
	v4 =	vshll.u32 v4, $0x7;
	v1 =	vsel vm1, $0xFFFFFFFF, v60  }
0x12: {  	v5 =	vsel vm1, $0xFFFFFFFF, v5;
	v6 =	vand.u32 $0x7F, v6;
	v7 =	vmul.u32 $0xA000, v7  }
0x13: {  	v58 =	vand.u32 $0xFFFFFC00, v57;
	v4 =	vand.u32 $0x380, v4;
	v61 =	vshrl.u32 v1, $0x3  }
0x14: {  	v62 =	vshll.u32 v5, $0x3;
	v3 =	vadd.s32 v7, v58;
	v7 =	vmul.u32 $0xA000, v61  }
0x15: {  	v1 =	vshll.u32 v1, $0x7;
	v3 =	vor.u32 v4, v3;
	v4 =	vand.u32 $0xFFFFFC00, v62  }
0x16: {  	v1 =	vand.u32 $0x380, v1;
	v3 =	vor.u32 v6, v3;
	v4 =	vadd.s32 v7, v4  }
0x17: {  	[tilespmem:s16], [sflag:$0x1] =	stream.indirect_vreg.gather [hbm4b:s2+s10], $0x1, v0, vm0, $0x4038;
	v63 =	vand.u32 $0x7F, v5;
	v1 =	vor.u32 v1, v4;
	[tilespmem:$0x3E80] =	vst v63  }
0x18: {  	s15 =	sadd.s32 $0x10, s15;
	(ifvalue) =	ssetifvalue $0x7FFFFFFF;
	v0 =	vor.u32 v63, v1  }
0x19: {  	[tilespmem:s15], [sflag:$0x1] =	stream.indirect_vreg.gather [hbm4b:s2+s10], $0x1, v2, vm0, $0x4038;
	[tilespmem:$0x3E80] =	vst v63  }
0x1a: {  	s15 =	sadd.s32 $0x10, s15;
	(ifvalue) =	ssetifvalue $0x7FFFFFFF  }
0x1b: {  	[tilespmem:s15], [sflag:$0x1] =	stream.indirect_vreg.gather [hbm4b:s2+s10], $0x1, v3, vm0, $0x4038;
	[tilespmem:$0x3E80] =	vst v63  }
0x1c: {  	s15 =	sadd.s32 $0x10, s15;
	(ifvalue) =	ssetifvalue $0x7FFFFFFF  }
0x1d: {  	[tilespmem:s15], [sflag:$0x1] =	stream.indirect_vreg.gather [hbm4b:s2+s10], $0x1, v0, vm0, $0x4038;
	[tilespmem:$0x3E80] =	vst v63  }
0x1e: {  	_ =	swait.ge [sflag:s4], $0xFA0  }
0x1f: {  	s30 =	sshrl.u32 s13, $0x3;
	[sflag:s4] =	ssyncset.done $0x0  }
0x20: {  	s31 =	sand.u32 $0x7, s13;
	s15 =	sadd.s32 s8, s30;
	[sflag:s4] =	ssyncadd.s32 $0xFFFFF060  }
0x21: {  	[hbm4b:s15+s31] =	stream.linear.scatter [tilespmem:s14], [sflag:$0x3], $0xFA0, $0x38;
	[tilespmem:$0x3E80] =	vst v63  }
.LBB2_5:
0x22: {  	s15 =	sadd.s32 $0x1F400, s11  }
0x23: {  	p1 =	sgt.s32 s15, $0x270FF  }
0x24: {  	s15 =	smov.u32 @p1 s5;
	p1 =	sne.s32 s12, s9  }
.Ltmp1:
0x25: {  	p0 =	slt.u32 s12, $0x2;
	(pc) =	sbr.rel @!p1 .LBB2_6-.Ltmp1, $4  }
0x26: {  	s14 =	simm.s32 @!p0 $0x3  }
0x27: {  	_ =	swait.ge @!p0 [sflag:s14], $0xFA0  }
0x28: {  	s16 =	sadd.s32 $0x1, s12;
	s13 =	smov.u32 s11;
	[sflag:s14] =	ssyncset.done @!p0 $0x0  }
0x29: {  	s12 =	smov.u32 s16;
	s11 =	smov.u32 s15;
	[sflag:s14] =	ssyncadd.s32 @!p0 $0xFFFFF060  }
.LBB2_1:
0x2a: {  	p0 =	sge.u32 s12, s7  }
0x2b: {  	s14 =	sxor.u32 @!p0 $0x1, s12  }
0x2c: {  	s14 =	smul.u32 @!p0 $0x3E80, s14  }
0x2d: {  	s31 =	sadd.s32 $0xFFFFFFFF, s12;
	s15 =	sshrl.u32 @!p0 s11, $0x3  }
0x2e: {  	s16 =	sand.u32 @!p0 $0x7, s11;
	s15 =	sadd.s32 @!p0 s3, s15;
	s14 =	sshra.s32 @!p0 s14, $0x2  }
0x2f: {  	[tilespmem:s14], [sflag:$0x2] =	stream.linear.gather @!p0 [hbm4b:s15+s16], $0xFA0, $0x38;
	[tilespmem:$0x3E80] =	vst v63  }
0x30: {  	p0 =	sge.u32 s31, s7  }
.Ltmp2:
0x31: {  	_ = 	snop;
	(pc) =	sbr.rel @p0 .LBB2_5-.Ltmp2, $1  }
0x32: {  	_ =	sdelay $0x3  }
0x33: {  	s14 =	sand.u32 $0x1, s12  }
0x34: {  	_ =	swait.ge [sflag:s6], $0xFA0;
	p0 =	seq.s32 s14, $0x1;
	s14 =	simm.s32 $0xFA0  }
0x35: {  	[sflag:s6] =	ssyncset.done $0x0;
	s14 =	simm.s32 @!p0 $0x0  }
0x36: {  	[sflag:s6] =	ssyncadd.s32 $0xFFFFF060;
	(ifvalue) =	ssetifvalue $0x7FFFFFFF;
	v0 =	vld.msk [tilespmem:s14+$0x0 ss:$0x1], $0xffff  }
0x37: {  	s15 =	sadd.s32 $0x10, s14  }
0x38: {  	v1 =	vld.msk [tilespmem:s15+$0x0 ss:$0x1], $0xffff;
	_ =	sdelay $0x2  }
0x39: {  	v2 =	vshrl.u32 v0, $0x5  }
0x3a: {  	vm1 =	veq.s32 v0, $0x80000000;
	v0 =	vand.u32 $0x1F, v0;
	v2 =	vand.u32 $0x1FFF, v2  }
0x3b: {  	v0 =	vsel vm1, $0xFFFFFFFF, v0;
	v6 =	vshrl.u32 v1, $0x5;
	v2 =	vsel vm1, $0xFFFFFFFF, v2  }
0x3c: {  	v3 =	vshrl.u32 v0, $0x3;
	v0 =	vshll.u32 v0, $0x7;
	vm1 =	veq.s32 v1, $0x80000000  }
0x3d: {  	s15 =	sadd.s32 $0x10, s15;
	v1 =	vand.u32 $0x1F, v1;
	v4 =	vshll.u32 v2, $0x3;
	v3 =	vmul.u32 $0xA000, v3  }
0x3e: {  	v0 =	vand.u32 $0x380, v0;
	v7 =	vand.u32 $0x7F, v2;
	v5 =	vand.u32 $0xFFFFFC00, v4;
	v4 =	vld.msk [tilespmem:s15+$0x0 ss:$0x1], $0xffff  }
0x3f: {  	v1 =	vsel vm1, $0xFFFFFFFF, v1;
	v2 =	vadd.s32 v3, v5;
	v3 =	vand.u32 $0x1FFF, v6  }
0x40: {  	v3 =	vsel vm1, $0xFFFFFFFF, v3;
	v0 =	vor.u32 v0, v2;
	v2 =	vshrl.u32 v1, $0x3  }
0x41: {  	v1 =	vshll.u32 v1, $0x7;
	v5 =	vshll.u32 v3, $0x3;
	v8 =	vmul.u32 $0xA000, v2  }
0x42: {  	s18 =	simm.s32 $0x30;
	s14 =	sadd.s32 $0x1F40, s14;
	s17 =	sadd.s32 $0x10, s15;
	v2 =	vand.u32 $0x380, v1;
	v0 =	vor.u32 v7, v0;
	v5 =	vand.u32 $0xFFFFFC00, v5  }
0x43: {  	s16 =	smov.u32 s14;
	s15 =	smov.u32 s14;
	v1 =	vld.msk [tilespmem:s17+$0x0 ss:$0x1], $0xffff;
	v3 =	vand.u32 $0x7F, v3;
	(ifvalue) =	ssetifvalue $0x7FFFFFFF;
	v6 =	vshrl.u32 v4, $0x5;
	v5 =	vadd.s32 v8, v5  }
.LBB2_3:
0x44: {  	s18 =	sadd.s32 $0x10, s18  }
0x45: {  	vm1 =	veq.s32 v4, $0x80000000;
	v4 =	vand.u32 $0x1F, v4;
	v6 =	vand.u32 $0x1FFF, v6;
	s15 =	sadd.s32 $0x10, s15;
	p0 =	slt.u32 s18, $0xF90  }
.Ltmp3:
0x46: {  	v5 =	vor.u32 v2, v5;
	v4 =	vsel vm1, $0xFFFFFFFF, v4;
	v7 =	vsel vm1, $0xFFFFFFFF, v6;
	(pc) =	sbr.rel @p0 .LBB2_3-.Ltmp3, $4  }
0x47: {  	v2 =	vshrl.u32 v4, $0x3;
	v6 =	vshll.u32 v7, $0x3;
	v4 =	vshll.u32 v4, $0x7;
	[tilespmem:s16], [sflag:$0x1] =	stream.indirect_vreg.gather [hbm4b:s2+s10], $0x1, v0, vm0, $0x4038;
	[tilespmem:$0x3E80] =	vst v63  }
0x48: {  	v0 =	vor.u32 v3, v5;
	s16 =	smov.u32 s15;
	v8 =	vmul.u32 $0xA000, v2;
	v2 =	vand.u32 $0x380, v4  }
0x49: {  	s17 =	sadd.s32 $0x10, s17;
	v9 =	vand.u32 $0xFFFFFC00, v6  }
0x4a: {  	v3 =	vand.u32 $0x7F, v7;
	v6 =	vshrl.u32 v1, $0x5;
	v5 =	vadd.s32 v8, v9;
	(ifvalue) =	ssetifvalue $0x7FFFFFFF;
	v4 =	vmovc v1;
	v1 =	vld.msk [tilespmem:s17+$0x0 ss:$0x1], $0xffff  }
.Ltmp4:
0x4b: {  	_ = 	snop;
	(pc) =	sbr.rel .LBB2_4-.Ltmp4, $1  }
0x4c: {  	_ =	sdelay $0x3  }
.LBB2_6:
0x4d: {  	_ =	sfence.sel $0x180000  }
0x4e: {  	s2 =	simm.s32 $0x2;
	[bflag:$0x0] =	sbarrier.arrive $0xFFFF  }
0x4f: {  	s30 =	simm.s32 $0x3;
	[sflag:s2] =	ssyncpa.u1 $0x1  }
0x50: {  	s31 =	simm.s32 $0x1;
	[sflag:s30] =	ssyncpa.u1 $0x1  }
0x51: {  	[sflag:s31] =	ssyncpa.u1 $0x1  }
0x52: {  	p0 =	sne.s32 s1, $0x0;
	_ =	strace $0x90000047  }
0x53: {  	s0 =	sadd.s32 @!p0 $0x100000, s0;
	[bflag:$0x2] =	sbarrier.arrive $0xFFFF  }
0x54: {  	[sflag:s0] =	ssyncadd.tile.s32 @!p0 $0x1;
	_ =	shalt  }
.Lfunc_end2:
_tile_overlayer_lowered:
.L_overlay_start_2:
0x55: {  	(tag) =	ssettag $0x2  }
0x56: {  	s0 =	rddreg [dreg:$0x0];
	s2 =	stileid.u32  }
0x57: {  	s1 =	rddreg [dreg:$0x1];
	p0 =	sne.s32 s2, $0x0  }
0x58: {  	s3 =	rddreg [dreg:$0x2];
	[bflag:$0x3] =	sbarrier.arrive $0xFFFF;
	s2 =	simm.s32 @!p0 $0x1C01  }
0x59: {  	[timem:s3], [sflag:s2] =	dma.local @!p0 [hbm:s0], s1  }
0x5a: {  	s0 =	simm.s32 @!p0 $0x1  }
0x5b: {  	_ =	swait.ge @!p0 [sflag:s0], s1  }
0x5c: {  	s1 =	ssub.s32 @!p0 $0x0, s1;
	[sflag:s0] =	ssyncset.done @!p0 $0x0  }
0x5d: {  	[sflag:s0] =	ssyncadd.s32 @!p0 s1  }
0x5e: {  	[bflag:$0x3] =	sbarrier.arrive $0xFFFF  }
0x5f: {  	_ =	shalt  }

// kernel: gather_offload_async_start.2
scs
__scs_entry_jumppad:
0x0: {  	(pc) =	sbr.rel $0x88, $3  }
0x1: {  	(tag) =	ssettag $0x0;
	lr =	simm.s32 $0x1  }
0x2: {  	[smem:$0x3F9F] =	sst lr;
	_ =	strace $0xD0000000  }
0x3: {  	_ = 	snop  }
0x4: {  	_ = 	snop  }
0x5: {  	_ = 	snop  }
0x6: {  	_ = 	snop  }
0x7: {  	_ = 	snop  }
__scs_overlays_trampoline_lowered:
0x8: {  	[smem:$0x3FAE] =	sst s0  }
0x9: {  	[smem:$0x3FAF] =	sst s1  }
0xa: {  	[smem:$0x3FB0] =	sst s2  }
0xb: {  	[smem:$0x3FB1] =	sst s3  }
0xc: {  	[smem:$0x3FB2] =	sst s4  }
0xd: {  	[smem:$0x3FB3] =	sst s5  }
0xe: {  	[smem:$0x3FB4] =	sst s6  }
0xf: {  	[smem:$0x3FB5] =	sst s7  }
0x10: {  	[smem:$0x3FB6] =	sst s8  }
0x11: {  	[smem:$0x3FB7] =	sst s9;
	s0 =	simm.s32 @!p0 $0x0  }
0x12: {  	s1 =	sld [smem:$0x3F9D];
	s0 =	simm.s32 @p0 $0x1  }
0x13: {  	[smem:$0x3FB8] =	sst s0;
	s0 =	simm.s32 @!p1 $0x0  }
0x14: {  	s2 =	sld [smem:$0x3F9C];
	s0 =	simm.s32 @p1 $0x1  }
0x15: {  	[smem:$0x3FB9] =	sst s0;
	s0 =	simm.s32 @!p2 $0x0  }
0x16: {  	s3 =	sld [smem:$0x3FDB];
	s0 =	simm.s32 @p2 $0x1  }
0x17: {  	s4 =	simm.s32 $0x1BF5;
	[smem:$0x3FBB] =	sst s0  }
0x18: {  	s0 =	sld [smem:$0x3F9E];
	_ =	swait.ge [sflag:s4], $0x0  }
0x19: {  	s7 =	sld [smem:$0x3F9F]  }
0x1a: {  	s8 =	sadd.s32 $0xFFFFE003, lr  }
0x1b: {  	s9 =	sadd.s32 $0xFFFFFEF7, lr;
	s5 =	simm.s32 $0xFFFFFFFF;
	p2 =	slt.u32 s8, $0xFFFFF086  }
0x1c: {  	p1 =	slt.u32 s9, $0xF7A;
	s5 =	simm.s32 @!p2 $0x0  }
0x1d: {  	s5 =	simm.s32 @p1 $0x1;
	p0 =	seq.s32 s7, s2  }
0x1e: {  	s7 =	smul.u32 @!p0 $0xF7A, s2;
	p2 =	seq.s32 @!p0 s5, $0x0  }
0x1f: {  	s9 =	smul.u32 $0xF7A, s1;
	s8 =	simm.s32 @!p0 $0x1BF5;
	p2 =	por !p2, p0  }
0x20: {  	[sflag:s8] =	ssyncset.s32 @!p0 $0xFFFFF086;
	s6 =	sadd.s32 @!p0 s3, s7;
	s7 =	simm.s32 @!p0 $0x108  }
0x21: {  	s3 =	sadd.s32 s3, s9;
	s6 =	sadd.s32 @!p0 $0x88, s6;
	s7 =	simm.s32 @p2 $0x1082  }
0x22: {  	[simem:s7], [sflag:s8] =	dma.local @!p0 [hbm:s6], $0xF7A  }
0x23: {  	s9 =	sor.u32 $0xD0000000, s2;
	s6 =	simm.s32 $0x108;
	_ =	swait.ge @!p0 [sflag:s8], $0x0  }
0x24: {  	s3 =	sadd.s32 $0x88, s3;
	s6 =	simm.s32 @!p1 $0x1082;
	[sflag:s4] =	ssyncset.s32 $0xFFFFF086  }
0x25: {  	[simem:s6], [sflag:s4] =	dma.local [hbm:s3], $0xF7A  }
0x26: {  	[smem:$0x3F9F] =	sst s1;
	(tag) =	ssettag s2;
	_ =	strace s9  }
0x27: {  	s1 =	sld [smem:$0x3FAF]  }
0x28: {  	s2 =	sld [smem:$0x3FB0]  }
0x29: {  	s4 =	sld [smem:$0x3FB2]  }
0x2a: {  	p0 =	seq.s32 s5, $0x0;
	s5 =	sld [smem:$0x3FB3]  }
0x2b: {  	s6 =	sld [smem:$0x3FB4]  }
0x2c: {  	s7 =	sld [smem:$0x3FB5]  }
0x2d: {  	s3 =	simm.s32 $0x108;
	s8 =	sld [smem:$0x3FB6]  }
0x2e: {  	s3 =	simm.s32 @!p0 $0x1082;
	s9 =	sld [smem:$0x3FB7]  }
0x2f: {  	lr =	sadd.s32 s0, s3;
	s0 =	sld [smem:$0x3FAE]  }
0x30: {  	s3 =	sld [smem:$0x3FB1]  }
0x31: {  	[smem:$0x3FBA] =	sst s10  }
0x32: {  	s10 =	sld [smem:$0x3FB8];
	_ =	sdelay $0x3  }
0x33: {  	p0 =	seq.s32 s10, $0x1;
	s10 =	sld [smem:$0x3FBA];
	_ =	sdelay $0x3  }
0x34: {  	[smem:$0x3FBA] =	sst s10  }
0x35: {  	s10 =	sld [smem:$0x3FB9];
	_ =	sdelay $0x3  }
0x36: {  	p1 =	seq.s32 s10, $0x1;
	s10 =	sld [smem:$0x3FBA];
	_ =	sdelay $0x3  }
0x37: {  	[smem:$0x3FBA] =	sst s10  }
0x38: {  	s10 =	sld [smem:$0x3FBB]  }
0x39: {  	_ = 	snop;
	(pc) =	sbr.ind lr, $3  }
0x3a: {  	_ = 	snop  }
0x3b: {  	_ = 	snop  }
0x3c: {  	p2 =	seq.s32 s10, $0x1;
	s10 =	sld [smem:$0x3FBA]  }
0x3d: {  	_ =	shalt  }
0x3e: {  	_ =	shalt  }
0x3f: {  	_ =	shalt  }
0x40: {  	_ =	shalt  }
0x41: {  	_ =	shalt  }
0x42: {  	_ =	shalt  }
0x43: {  	_ =	shalt  }
0x44: {  	_ =	shalt  }
0x45: {  	_ =	shalt  }
0x46: {  	_ =	shalt  }
0x47: {  	_ =	shalt  }
0x48: {  	_ =	shalt  }
0x49: {  	_ =	shalt  }
0x4a: {  	_ =	shalt  }
0x4b: {  	_ =	shalt  }
0x4c: {  	_ =	shalt  }
0x4d: {  	_ =	shalt  }
0x4e: {  	_ =	shalt  }
0x4f: {  	_ =	shalt  }
0x50: {  	_ =	shalt  }
0x51: {  	_ =	shalt  }
0x52: {  	_ =	shalt  }
0x53: {  	_ =	shalt  }
0x54: {  	_ =	shalt  }
0x55: {  	_ =	shalt  }
0x56: {  	_ =	shalt  }
0x57: {  	_ =	shalt  }
0x58: {  	_ =	shalt  }
0x59: {  	_ =	shalt  }
0x5a: {  	_ =	shalt  }
0x5b: {  	_ =	shalt  }
0x5c: {  	_ =	shalt  }
0x5d: {  	_ =	shalt  }
0x5e: {  	_ =	shalt  }
0x5f: {  	_ =	shalt  }
0x60: {  	_ =	shalt  }
0x61: {  	_ =	shalt  }
0x62: {  	_ =	shalt  }
0x63: {  	_ =	shalt  }
0x64: {  	_ =	shalt  }
0x65: {  	_ =	shalt  }
0x66: {  	_ =	shalt  }
0x67: {  	_ =	shalt  }
0x68: {  	_ =	shalt  }
0x69: {  	_ =	shalt  }
0x6a: {  	_ =	shalt  }
0x6b: {  	_ =	shalt  }
0x6c: {  	_ =	shalt  }
0x6d: {  	_ =	shalt  }
0x6e: {  	_ =	shalt  }
0x6f: {  	_ =	shalt  }
0x70: {  	_ =	shalt  }
0x71: {  	_ =	shalt  }
0x72: {  	_ =	shalt  }
0x73: {  	_ =	shalt  }
0x74: {  	_ =	shalt  }
0x75: {  	_ =	shalt  }
0x76: {  	_ =	shalt  }
0x77: {  	_ =	shalt  }
0x78: {  	_ =	shalt  }
0x79: {  	_ =	shalt  }
0x7a: {  	_ =	shalt  }
0x7b: {  	_ =	shalt  }
0x7c: {  	_ =	shalt  }
0x7d: {  	_ =	shalt  }
0x7e: {  	_ =	shalt  }
0x7f: {  	_ =	shalt  }
0x80: {  	_ =	shalt  }
0x81: {  	_ =	shalt  }
0x82: {  	_ =	shalt  }
0x83: {  	_ =	shalt  }
0x84: {  	_ =	shalt  }
0x85: {  	_ =	shalt  }
0x86: {  	_ =	shalt  }
0x87: {  	_ =	shalt  }
.Lfunc_end0:
.L_simem_size_0:
called_computation.2_lowered:
.L_overlay_start_0:
0x88: {  	s2 =	sld [smem:$0x3FD9]  }
0x89: {  	s3 =	sld [smem:$0x3FFE];
	_ =	sdelay $0x1  }
0x8a: {  	s1 =	srdreg.scid  }
0x8b: {  	s0 =	sand.u32 $0x1, s1  }
0x8c: {  	s17 =	sshll.u32 s0, $0xA;
	s2 =	sadd.s32 s3, s2  }
0x8d: {  	s2 =	sadd.s32 s2, s17  }
0x8e: {  	[smem:$0x3FC6] =	sst s2  }
0x8f: {  	_ = 	snop  }
0x90: {  	s2 =	sld [smem:$0x3FD0];
	(tm) =	ssettm $0x1  }
0x91: {  	s18 =	sld [smem:$0x3FFB];
	_ =	sdelay $0x3  }
0x92: {  	_ =	strace s18  }
0x93: {  	s3 =	sld [smem:$0x3FFC];
	_ =	sdelay $0x3  }
0x94: {  	_ =	strace s3  }
0x95: {  	s3 =	sld [smem:$0x3FFD];
	_ =	sdelay $0x3  }
0x96: {  	_ =	strace s3  }
0x97: {  	_ =	strace $0x8FFFFFFF  }
0x98: {  	s19 =	sld [smem:$0x3FDB];
	_ =	sdelay $0x1  }
0x99: {  	s4 =	simm.s32 $_scs_section_size  }
0x9a: {  	s5 =	simm.s32 $_size__tile_overlayer_lowered;
	s6 =	simm.s32 $_tile_overlayer_lowered  }
0x9b: {  	s22 =	simm.s32 $0x1BFF;
	s21 =	sshll.u32 s6, $0x1;
	s3 =	sadd.s32 s4, s19  }
0x9c: {  	s7 =	simm.s32 $0x0;
	s20 =	sshll.u32 s5, $0x1;
	s5 =	sadd.s32 s21, s3  }
0x9d: {  	[timem:s7], [sflag:s22] =	dma.local [hbm:s5], s20  }
0x9e: {  	_ =	swait.ge [sflag:s22], s20  }
0x9f: {  	s4 =	ssub.s32 $0x0, s20;
	[sflag:s22] =	ssyncset.done $0x0  }
0xa0: {  	[sflag:s22] =	ssyncadd.s32 s4;
	_ =	sdelay $0x1  }
0xa1: {  	s23 =	simm.s32 $0x1B8B  }
0xa2: {  	_ =	swait.ge [sflag:s23], $0x1  }
0xa3: {  	[sflag:s23] =	ssyncset.done $0x0  }
0xa4: {  	s25 =	simm.s32 $0x1B8E;
	s24 =	sld [smem:$0x3FFE];
	[sflag:s23] =	ssyncadd.s32 $0xFFFFFFFF  }
0xa5: {  	s26 =	simm.s32 $execute0_lowered;
	[smem:$0x3FD2] =	sst s25  }
0xa6: {  	s5 =	sshll.u32 s26, $0x1;
	_ =	strace $0x8000004C;
	[dreg:$0x1] =	wrdreg $0xFFFFFFFF  }
0xa7: {  	s28 =	simm.s32 $_size_execute0_lowered;
	s3 =	sadd.s32 s3, s5;
	[dreg:$0x0] =	wrdreg $0x0  }
0xa8: {  	s5 =	sshll.u32 s28, $0x1;
	[dreg:$0x2] =	wrdreg s3  }
0xa9: {  	[dreg:$0x3] =	wrdreg s5  }
0xaa: {  	[dreg:$0x4] =	wrdreg $0xC0  }
0xab: {  	_ =	task [dreg:s7], $0x5FFFF  }
0xac: {  	[dreg:$0x1] =	wrdreg $0xFFFFFFFF  }
0xad: {  	[dreg:$0x0] =	wrdreg $0x60  }
0xae: {  	[dreg:$0x2] =	wrdreg s2  }
0xaf: {  	[dreg:$0x3] =	wrdreg s24  }
0xb0: {  	[dreg:$0x4] =	wrdreg $0x9  }
0xb1: {  	_ =	task.clear_ibuf [dreg:s7], $0x5FFFF;
	_ =	strace $0x9000004C  }
0xb2: {  	s29 =	simm.s32 $0x9;
	_ =	strace $0x8000004E  }
0xb3: {  	_ =	swait.ge [sflag:s29], $0x1  }
0xb4: {  	[sflag:s29] =	ssyncadd.s32 $0xFFFFFFFF  }
0xb5: {  	_ =	strace $0x9000004E  }
0xb6: {  	_ =	sfence  }
0xb7: {  	s30 =	sld [smem:$0x0];
	_ =	sdelay $0x2  }
0xb8: {  	s31 =	sshll.u32 s1, $0xD;
	s1 =	sshrl.u32 s1, $0x2  }
0xb9: {  	s3 =	sand.u32 $0x4000, s31;
	s1 =	sadd.s32 s1, s30  }
0xba: {  	s0 =	sor.u32 s3, s0;
	s1 =	sshll.u32 s1, $0x11  }
0xbb: {  	s0 =	sor.u32 s1, s0  }
0xbc: {  	s0 =	sadd.s32 $0x8F2B, s0  }
0xbd: {  	[sflag:s0] =	ssyncadd.remote.s32 $0x1  }
0xbe: {  	_ =	sfence.sel $0xFFFF  }
0xbf: {  	[dreg:$0x0] =	wrdreg $0xFFFFFFFF;
	(pc) =	sbr.abs _section_cstart, $3  }
0xc0: {  	[dreg:$0x1] =	wrdreg $0xFFFFFFFF  }
0xc1: {  	_ =	task.clear_ibuf [dreg:s7], $0x2FFFF;
	_ =	strace $0x9FFFFFFF  }
0xc2: {  	(tm) =	ssettm $0x7FFFFFFF  }
0xc3: {  	_ =	shalt  }
tec
execute0_lowered:
.L_overlay_start_1:
0x0: {  	(tag) =	ssettag $0x1  }
0x1: {  	s2 =	rddreg [dreg:$0x0]  }
0x2: {  	s3 =	rddreg [dreg:$0x1];
	s1 =	stileid.u32  }
0x3: {  	s4 =	srdreg.scid;
	s0 =	rddreg [dreg:$0x2];
	_ =	strace $0x8000004D  }
0x4: {  	s7 =	simm.s32 $0x1;
	s8 =	simm.s32 $0x1;
	s9 =	simm.s32 $0x3  }
0x5: {  	s10 =	simm.s32 $0x0;
	s5 =	sand.u32 $0x1, s4;
	s6 =	sshll.u32 s1, $0x1  }
0x6: {  	s13 =	simm.s32 $0x0;
	s4 =	simm.s32 $0x1;
	s5 =	sor.u32 s6, s5  }
.Ltmp0:
0x7: {  	[sflag:s4] =	ssyncpa.u1 $0x0;
	p0 =	slt.u32 s5, $0x9;
	(pc) =	sbr.rel .LBB2_1-.Ltmp0, $4  }
0x8: {  	s6 =	simm.s32 $0x2;
	s7 =	simm.s32 @!p0 $0x0;
	p0 =	sne.s32 s5, $0x8  }
0x9: {  	[sflag:s6] =	ssyncpa.u1 $0x0;
	s5 =	smul.u32 $0xFA0, s5;
	s8 =	simm.s32 @!p0 $0x0  }
0xa: {  	s12 =	simm.s32 $0x0;
	[sflag:s9] =	ssyncpa.u1 $0x0;
	s7 =	sadd.s32 s8, s7  }
0xb: {  	vm0 =	vmmov $0xffff;
	s8 =	sadd.s32 $0xAB400, s3;
	s11 =	smov.u32 s5;
	s9 =	sadd.s32 $0x1, s7  }
.LBB2_4:
0xc: {  	vm1 =	veq.s32 v4, $0x80000000;
	v56 =	vand.u32 $0x1F, v4;
	v6 =	vand.u32 $0x1FFF, v6  }
0xd: {  	v2 =	vor.u32 v2, v5;
	v59 =	vshrl.u32 v1, $0x5;
	v60 =	vand.u32 $0x1F, v1  }
0xe: {  	v4 =	vsel vm1, $0xFFFFFFFF, v56;
	v6 =	vsel vm1, $0xFFFFFFFF, v6;
	v2 =	vor.u32 v3, v2  }
0xf: {  	vm1 =	veq.s32 v1, $0x80000000;
	v5 =	vand.u32 $0x1FFF, v59;
	v7 =	vshrl.u32 v4, $0x3  }
0x10: {  	v57 =	vshll.u32 v6, $0x3;
	v4 =	vshll.u32 v4, $0x7;
	v1 =	vsel vm1, $0xFFFFFFFF, v60  }
0x11: {  	v5 =	vsel vm1, $0xFFFFFFFF, v5;
	v6 =	vand.u32 $0x7F, v6;
	v7 =	vmul.u32 $0xA000, v7  }
0x12: {  	v58 =	vand.u32 $0xFFFFFC00, v57;
	v4 =	vand.u32 $0x380, v4;
	v61 =	vshrl.u32 v1, $0x3  }
0x13: {  	v62 =	vshll.u32 v5, $0x3;
	v3 =	vadd.s32 v7, v58;
	v7 =	vmul.u32 $0xA000, v61  }
0x14: {  	v1 =	vshll.u32 v1, $0x7;
	v3 =	vor.u32 v4, v3;
	v4 =	vand.u32 $0xFFFFFC00, v62  }
0x15: {  	v1 =	vand.u32 $0x380, v1;
	v3 =	vor.u32 v6, v3;
	v4 =	vadd.s32 v7, v4  }
0x16: {  	[tilespmem:s16], [sflag:$0x1] =	stream.indirect_vreg.gather [hbm4b:s2+s10], $0x1, v0, vm0, $0x4038;
	v63 =	vand.u32 $0x7F, v5;
	v1 =	vor.u32 v1, v4;
	[tilespmem:$0x3E80] =	vst v63  }
0x17: {  	s15 =	sadd.s32 $0x10, s15;
	(ifvalue) =	ssetifvalue $0x7FFFFFFF;
	v0 =	vor.u32 v63, v1  }
0x18: {  	[tilespmem:s15], [sflag:$0x1] =	stream.indirect_vreg.gather [hbm4b:s2+s10], $0x1, v2, vm0, $0x4038;
	[tilespmem:$0x3E80] =	vst v63  }
0x19: {  	s15 =	sadd.s32 $0x10, s15;
	(ifvalue) =	ssetifvalue $0x7FFFFFFF  }
0x1a: {  	[tilespmem:s15], [sflag:$0x1] =	stream.indirect_vreg.gather [hbm4b:s2+s10], $0x1, v3, vm0, $0x4038;
	[tilespmem:$0x3E80] =	vst v63  }
0x1b: {  	s15 =	sadd.s32 $0x10, s15;
	(ifvalue) =	ssetifvalue $0x7FFFFFFF  }
0x1c: {  	[tilespmem:s15], [sflag:$0x1] =	stream.indirect_vreg.gather [hbm4b:s2+s10], $0x1, v0, vm0, $0x4038;
	[tilespmem:$0x3E80] =	vst v63  }
0x1d: {  	_ =	swait.ge [sflag:s4], $0xFA0  }
0x1e: {  	s30 =	sshrl.u32 s13, $0x3;
	[sflag:s4] =	ssyncset.done $0x0  }
0x1f: {  	s31 =	sand.u32 $0x7, s13;
	s15 =	sadd.s32 s3, s30;
	[sflag:s4] =	ssyncadd.s32 $0xFFFFF060  }
0x20: {  	[hbm4b:s15+s31] =	stream.linear.scatter [tilespmem:s14], [sflag:$0x3], $0xFA0, $0x38;
	[tilespmem:$0x3E80] =	vst v63  }
.LBB2_5:
0x21: {  	s15 =	sadd.s32 $0x1F400, s11  }
0x22: {  	p1 =	sgt.s32 s15, $0x270FF  }
0x23: {  	s15 =	smov.u32 @p1 s5;
	p1 =	sne.s32 s12, s9  }
.Ltmp1:
0x24: {  	p0 =	slt.u32 s12, $0x2;
	(pc) =	sbr.rel @!p1 .LBB2_6-.Ltmp1, $4  }
0x25: {  	s14 =	simm.s32 @!p0 $0x3  }
0x26: {  	_ =	swait.ge @!p0 [sflag:s14], $0xFA0  }
0x27: {  	s16 =	sadd.s32 $0x1, s12;
	s13 =	smov.u32 s11;
	[sflag:s14] =	ssyncset.done @!p0 $0x0  }
0x28: {  	s12 =	smov.u32 s16;
	s11 =	smov.u32 s15;
	[sflag:s14] =	ssyncadd.s32 @!p0 $0xFFFFF060  }
.LBB2_1:
0x29: {  	p0 =	sge.u32 s12, s7  }
0x2a: {  	s14 =	sxor.u32 @!p0 $0x1, s12  }
0x2b: {  	s14 =	smul.u32 @!p0 $0x3E80, s14  }
0x2c: {  	s31 =	sadd.s32 $0xFFFFFFFF, s12;
	s15 =	sshrl.u32 @!p0 s11, $0x3  }
0x2d: {  	s16 =	sand.u32 @!p0 $0x7, s11;
	s15 =	sadd.s32 @!p0 s8, s15;
	s14 =	sshra.s32 @!p0 s14, $0x2  }
0x2e: {  	[tilespmem:s14], [sflag:$0x2] =	stream.linear.gather @!p0 [hbm4b:s15+s16], $0xFA0, $0x38;
	[tilespmem:$0x3E80] =	vst v63  }
0x2f: {  	p0 =	sge.u32 s31, s7  }
.Ltmp2:
0x30: {  	_ = 	snop;
	(pc) =	sbr.rel @p0 .LBB2_5-.Ltmp2, $1  }
0x31: {  	_ =	sdelay $0x3  }
0x32: {  	s14 =	sand.u32 $0x1, s12  }
0x33: {  	_ =	swait.ge [sflag:s6], $0xFA0;
	p0 =	seq.s32 s14, $0x1;
	s14 =	simm.s32 $0xFA0  }
0x34: {  	[sflag:s6] =	ssyncset.done $0x0;
	s14 =	simm.s32 @!p0 $0x0  }
0x35: {  	[sflag:s6] =	ssyncadd.s32 $0xFFFFF060;
	(ifvalue) =	ssetifvalue $0x7FFFFFFF;
	v0 =	vld.msk [tilespmem:s14+$0x0 ss:$0x1], $0xffff  }
0x36: {  	s15 =	sadd.s32 $0x10, s14  }
0x37: {  	v1 =	vld.msk [tilespmem:s15+$0x0 ss:$0x1], $0xffff;
	_ =	sdelay $0x2  }
0x38: {  	v2 =	vshrl.u32 v0, $0x5  }
0x39: {  	vm1 =	veq.s32 v0, $0x80000000;
	v0 =	vand.u32 $0x1F, v0;
	v2 =	vand.u32 $0x1FFF, v2  }
0x3a: {  	v0 =	vsel vm1, $0xFFFFFFFF, v0;
	v6 =	vshrl.u32 v1, $0x5;
	v2 =	vsel vm1, $0xFFFFFFFF, v2  }
0x3b: {  	v3 =	vshrl.u32 v0, $0x3;
	v0 =	vshll.u32 v0, $0x7;
	vm1 =	veq.s32 v1, $0x80000000  }
0x3c: {  	s15 =	sadd.s32 $0x10, s15;
	v1 =	vand.u32 $0x1F, v1;
	v4 =	vshll.u32 v2, $0x3;
	v3 =	vmul.u32 $0xA000, v3  }
0x3d: {  	v0 =	vand.u32 $0x380, v0;
	v7 =	vand.u32 $0x7F, v2;
	v5 =	vand.u32 $0xFFFFFC00, v4;
	v4 =	vld.msk [tilespmem:s15+$0x0 ss:$0x1], $0xffff  }
0x3e: {  	v1 =	vsel vm1, $0xFFFFFFFF, v1;
	v2 =	vadd.s32 v3, v5;
	v3 =	vand.u32 $0x1FFF, v6  }
0x3f: {  	v3 =	vsel vm1, $0xFFFFFFFF, v3;
	v0 =	vor.u32 v0, v2;
	v2 =	vshrl.u32 v1, $0x3  }
0x40: {  	v1 =	vshll.u32 v1, $0x7;
	v5 =	vshll.u32 v3, $0x3;
	v8 =	vmul.u32 $0xA000, v2  }
0x41: {  	s18 =	simm.s32 $0x30;
	s14 =	sadd.s32 $0x1F40, s14;
	s17 =	sadd.s32 $0x10, s15;
	v2 =	vand.u32 $0x380, v1;
	v0 =	vor.u32 v7, v0;
	v5 =	vand.u32 $0xFFFFFC00, v5  }
0x42: {  	s16 =	smov.u32 s14;
	s15 =	smov.u32 s14;
	v1 =	vld.msk [tilespmem:s17+$0x0 ss:$0x1], $0xffff;
	v3 =	vand.u32 $0x7F, v3;
	(ifvalue) =	ssetifvalue $0x7FFFFFFF;
	v6 =	vshrl.u32 v4, $0x5;
	v5 =	vadd.s32 v8, v5  }
.LBB2_3:
0x43: {  	s18 =	sadd.s32 $0x10, s18  }
0x44: {  	vm1 =	veq.s32 v4, $0x80000000;
	v4 =	vand.u32 $0x1F, v4;
	v6 =	vand.u32 $0x1FFF, v6;
	s15 =	sadd.s32 $0x10, s15;
	p0 =	slt.u32 s18, $0xF90  }
.Ltmp3:
0x45: {  	v5 =	vor.u32 v2, v5;
	v4 =	vsel vm1, $0xFFFFFFFF, v4;
	v7 =	vsel vm1, $0xFFFFFFFF, v6;
	(pc) =	sbr.rel @p0 .LBB2_3-.Ltmp3, $4  }
0x46: {  	v2 =	vshrl.u32 v4, $0x3;
	v6 =	vshll.u32 v7, $0x3;
	v4 =	vshll.u32 v4, $0x7;
	[tilespmem:s16], [sflag:$0x1] =	stream.indirect_vreg.gather [hbm4b:s2+s10], $0x1, v0, vm0, $0x4038;
	[tilespmem:$0x3E80] =	vst v63  }
0x47: {  	v0 =	vor.u32 v3, v5;
	s16 =	smov.u32 s15;
	v8 =	vmul.u32 $0xA000, v2;
	v2 =	vand.u32 $0x380, v4  }
0x48: {  	s17 =	sadd.s32 $0x10, s17;
	v9 =	vand.u32 $0xFFFFFC00, v6  }
0x49: {  	v3 =	vand.u32 $0x7F, v7;
	v6 =	vshrl.u32 v1, $0x5;
	v5 =	vadd.s32 v8, v9;
	(ifvalue) =	ssetifvalue $0x7FFFFFFF;
	v4 =	vmovc v1;
	v1 =	vld.msk [tilespmem:s17+$0x0 ss:$0x1], $0xffff  }
.Ltmp4:
0x4a: {  	_ = 	snop;
	(pc) =	sbr.rel .LBB2_4-.Ltmp4, $1  }
0x4b: {  	_ =	sdelay $0x3  }
.LBB2_6:
0x4c: {  	_ =	sfence.sel $0x180000  }
0x4d: {  	s2 =	simm.s32 $0x2;
	[bflag:$0x0] =	sbarrier.arrive $0xFFFF  }
0x4e: {  	s30 =	simm.s32 $0x3;
	[sflag:s2] =	ssyncpa.u1 $0x1  }
0x4f: {  	s31 =	simm.s32 $0x1;
	[sflag:s30] =	ssyncpa.u1 $0x1  }
0x50: {  	[sflag:s31] =	ssyncpa.u1 $0x1  }
0x51: {  	p0 =	sne.s32 s1, $0x0;
	_ =	strace $0x9000004D  }
0x52: {  	s0 =	sadd.s32 @!p0 $0x100000, s0;
	[bflag:$0x2] =	sbarrier.arrive $0xFFFF  }
0x53: {  	[sflag:s0] =	ssyncadd.tile.s32 @!p0 $0x1;
	_ =	shalt  }
.Lfunc_end2:
_tile_overlayer_lowered:
.L_overlay_start_2:
0x54: {  	(tag) =	ssettag $0x2  }
0x55: {  	s0 =	rddreg [dreg:$0x0];
	s2 =	stileid.u32  }
0x56: {  	s1 =	rddreg [dreg:$0x1];
	p0 =	sne.s32 s2, $0x0  }
0x57: {  	s3 =	rddreg [dreg:$0x2];
	[bflag:$0x3] =	sbarrier.arrive $0xFFFF;
	s2 =	simm.s32 @!p0 $0x1C01  }
0x58: {  	[timem:s3], [sflag:s2] =	dma.local @!p0 [hbm:s0], s1  }
0x59: {  	s0 =	simm.s32 @!p0 $0x1  }
0x5a: {  	_ =	swait.ge @!p0 [sflag:s0], s1  }
0x5b: {  	s1 =	ssub.s32 @!p0 $0x0, s1;
	[sflag:s0] =	ssyncset.done @!p0 $0x0  }
0x5c: {  	[sflag:s0] =	ssyncadd.s32 @!p0 s1  }
0x5d: {  	[bflag:$0x3] =	sbarrier.arrive $0xFFFF  }
0x5e: {  	_ =	shalt  }

// kernel: gather_offload_async_start
scs
__scs_entry_jumppad:
0x0: {  	(pc) =	sbr.rel $0x88, $3  }
0x1: {  	(tag) =	ssettag $0x0;
	lr =	simm.s32 $0x1  }
0x2: {  	[smem:$0x3F9F] =	sst lr;
	_ =	strace $0xD0000000  }
0x3: {  	_ = 	snop  }
0x4: {  	_ = 	snop  }
0x5: {  	_ = 	snop  }
0x6: {  	_ = 	snop  }
0x7: {  	_ = 	snop  }
__scs_overlays_trampoline_lowered:
0x8: {  	[smem:$0x3FAE] =	sst s0  }
0x9: {  	[smem:$0x3FAF] =	sst s1  }
0xa: {  	[smem:$0x3FB0] =	sst s2  }
0xb: {  	[smem:$0x3FB1] =	sst s3  }
0xc: {  	[smem:$0x3FB2] =	sst s4  }
0xd: {  	[smem:$0x3FB3] =	sst s5  }
0xe: {  	[smem:$0x3FB4] =	sst s6  }
0xf: {  	[smem:$0x3FB5] =	sst s7  }
0x10: {  	[smem:$0x3FB6] =	sst s8  }
0x11: {  	[smem:$0x3FB7] =	sst s9;
	s0 =	simm.s32 @!p0 $0x0  }
0x12: {  	s1 =	sld [smem:$0x3F9D];
	s0 =	simm.s32 @p0 $0x1  }
0x13: {  	[smem:$0x3FB8] =	sst s0;
	s0 =	simm.s32 @!p1 $0x0  }
0x14: {  	s2 =	sld [smem:$0x3F9C];
	s0 =	simm.s32 @p1 $0x1  }
0x15: {  	[smem:$0x3FB9] =	sst s0;
	s0 =	simm.s32 @!p2 $0x0  }
0x16: {  	s3 =	sld [smem:$0x3FDB];
	s0 =	simm.s32 @p2 $0x1  }
0x17: {  	s4 =	simm.s32 $0x1BF5;
	[smem:$0x3FBB] =	sst s0  }
0x18: {  	s0 =	sld [smem:$0x3F9E];
	_ =	swait.ge [sflag:s4], $0x0  }
0x19: {  	s7 =	sld [smem:$0x3F9F]  }
0x1a: {  	s8 =	sadd.s32 $0xFFFFE003, lr  }
0x1b: {  	s9 =	sadd.s32 $0xFFFFFEF7, lr;
	s5 =	simm.s32 $0xFFFFFFFF;
	p2 =	slt.u32 s8, $0xFFFFF086  }
0x1c: {  	p1 =	slt.u32 s9, $0xF7A;
	s5 =	simm.s32 @!p2 $0x0  }
0x1d: {  	s5 =	simm.s32 @p1 $0x1;
	p0 =	seq.s32 s7, s2  }
0x1e: {  	s7 =	smul.u32 @!p0 $0xF7A, s2;
	p2 =	seq.s32 @!p0 s5, $0x0  }
0x1f: {  	s9 =	smul.u32 $0xF7A, s1;
	s8 =	simm.s32 @!p0 $0x1BF5;
	p2 =	por !p2, p0  }
0x20: {  	[sflag:s8] =	ssyncset.s32 @!p0 $0xFFFFF086;
	s6 =	sadd.s32 @!p0 s3, s7;
	s7 =	simm.s32 @!p0 $0x108  }
0x21: {  	s3 =	sadd.s32 s3, s9;
	s6 =	sadd.s32 @!p0 $0x88, s6;
	s7 =	simm.s32 @p2 $0x1082  }
0x22: {  	[simem:s7], [sflag:s8] =	dma.local @!p0 [hbm:s6], $0xF7A  }
0x23: {  	s9 =	sor.u32 $0xD0000000, s2;
	s6 =	simm.s32 $0x108;
	_ =	swait.ge @!p0 [sflag:s8], $0x0  }
0x24: {  	s3 =	sadd.s32 $0x88, s3;
	s6 =	simm.s32 @!p1 $0x1082;
	[sflag:s4] =	ssyncset.s32 $0xFFFFF086  }
0x25: {  	[simem:s6], [sflag:s4] =	dma.local [hbm:s3], $0xF7A  }
0x26: {  	[smem:$0x3F9F] =	sst s1;
	(tag) =	ssettag s2;
	_ =	strace s9  }
0x27: {  	s1 =	sld [smem:$0x3FAF]  }
0x28: {  	s2 =	sld [smem:$0x3FB0]  }
0x29: {  	s4 =	sld [smem:$0x3FB2]  }
0x2a: {  	p0 =	seq.s32 s5, $0x0;
	s5 =	sld [smem:$0x3FB3]  }
0x2b: {  	s6 =	sld [smem:$0x3FB4]  }
0x2c: {  	s7 =	sld [smem:$0x3FB5]  }
0x2d: {  	s3 =	simm.s32 $0x108;
	s8 =	sld [smem:$0x3FB6]  }
0x2e: {  	s3 =	simm.s32 @!p0 $0x1082;
	s9 =	sld [smem:$0x3FB7]  }
0x2f: {  	lr =	sadd.s32 s0, s3;
	s0 =	sld [smem:$0x3FAE]  }
0x30: {  	s3 =	sld [smem:$0x3FB1]  }
0x31: {  	[smem:$0x3FBA] =	sst s10  }
0x32: {  	s10 =	sld [smem:$0x3FB8];
	_ =	sdelay $0x3  }
0x33: {  	p0 =	seq.s32 s10, $0x1;
	s10 =	sld [smem:$0x3FBA];
	_ =	sdelay $0x3  }
0x34: {  	[smem:$0x3FBA] =	sst s10  }
0x35: {  	s10 =	sld [smem:$0x3FB9];
	_ =	sdelay $0x3  }
0x36: {  	p1 =	seq.s32 s10, $0x1;
	s10 =	sld [smem:$0x3FBA];
	_ =	sdelay $0x3  }
0x37: {  	[smem:$0x3FBA] =	sst s10  }
0x38: {  	s10 =	sld [smem:$0x3FBB]  }
0x39: {  	_ = 	snop;
	(pc) =	sbr.ind lr, $3  }
0x3a: {  	_ = 	snop  }
0x3b: {  	_ = 	snop  }
0x3c: {  	p2 =	seq.s32 s10, $0x1;
	s10 =	sld [smem:$0x3FBA]  }
0x3d: {  	_ =	shalt  }
0x3e: {  	_ =	shalt  }
0x3f: {  	_ =	shalt  }
0x40: {  	_ =	shalt  }
0x41: {  	_ =	shalt  }
0x42: {  	_ =	shalt  }
0x43: {  	_ =	shalt  }
0x44: {  	_ =	shalt  }
0x45: {  	_ =	shalt  }
0x46: {  	_ =	shalt  }
0x47: {  	_ =	shalt  }
0x48: {  	_ =	shalt  }
0x49: {  	_ =	shalt  }
0x4a: {  	_ =	shalt  }
0x4b: {  	_ =	shalt  }
0x4c: {  	_ =	shalt  }
0x4d: {  	_ =	shalt  }
0x4e: {  	_ =	shalt  }
0x4f: {  	_ =	shalt  }
0x50: {  	_ =	shalt  }
0x51: {  	_ =	shalt  }
0x52: {  	_ =	shalt  }
0x53: {  	_ =	shalt  }
0x54: {  	_ =	shalt  }
0x55: {  	_ =	shalt  }
0x56: {  	_ =	shalt  }
0x57: {  	_ =	shalt  }
0x58: {  	_ =	shalt  }
0x59: {  	_ =	shalt  }
0x5a: {  	_ =	shalt  }
0x5b: {  	_ =	shalt  }
0x5c: {  	_ =	shalt  }
0x5d: {  	_ =	shalt  }
0x5e: {  	_ =	shalt  }
0x5f: {  	_ =	shalt  }
0x60: {  	_ =	shalt  }
0x61: {  	_ =	shalt  }
0x62: {  	_ =	shalt  }
0x63: {  	_ =	shalt  }
0x64: {  	_ =	shalt  }
0x65: {  	_ =	shalt  }
0x66: {  	_ =	shalt  }
0x67: {  	_ =	shalt  }
0x68: {  	_ =	shalt  }
0x69: {  	_ =	shalt  }
0x6a: {  	_ =	shalt  }
0x6b: {  	_ =	shalt  }
0x6c: {  	_ =	shalt  }
0x6d: {  	_ =	shalt  }
0x6e: {  	_ =	shalt  }
0x6f: {  	_ =	shalt  }
0x70: {  	_ =	shalt  }
0x71: {  	_ =	shalt  }
0x72: {  	_ =	shalt  }
0x73: {  	_ =	shalt  }
0x74: {  	_ =	shalt  }
0x75: {  	_ =	shalt  }
0x76: {  	_ =	shalt  }
0x77: {  	_ =	shalt  }
0x78: {  	_ =	shalt  }
0x79: {  	_ =	shalt  }
0x7a: {  	_ =	shalt  }
0x7b: {  	_ =	shalt  }
0x7c: {  	_ =	shalt  }
0x7d: {  	_ =	shalt  }
0x7e: {  	_ =	shalt  }
0x7f: {  	_ =	shalt  }
0x80: {  	_ =	shalt  }
0x81: {  	_ =	shalt  }
0x82: {  	_ =	shalt  }
0x83: {  	_ =	shalt  }
0x84: {  	_ =	shalt  }
0x85: {  	_ =	shalt  }
0x86: {  	_ =	shalt  }
0x87: {  	_ =	shalt  }
.Lfunc_end0:
.L_simem_size_0:
called_computation_lowered:
.L_overlay_start_0:
0x88: {  	s2 =	sld [smem:$0x3FD9]  }
0x89: {  	s3 =	sld [smem:$0x3FFE];
	_ =	sdelay $0x1  }
0x8a: {  	s1 =	srdreg.scid  }
0x8b: {  	s0 =	sand.u32 $0x1, s1  }
0x8c: {  	s16 =	sshll.u32 s0, $0xA;
	s2 =	sadd.s32 s3, s2  }
0x8d: {  	s2 =	sadd.s32 s2, s16  }
0x8e: {  	[smem:$0x3FC6] =	sst s2  }
0x8f: {  	_ = 	snop  }
0x90: {  	(tm) =	ssettm $0x1  }
0x91: {  	s17 =	sld [smem:$0x3FFB];
	_ =	sdelay $0x3  }
0x92: {  	_ =	strace s17  }
0x93: {  	s2 =	sld [smem:$0x3FFC];
	_ =	sdelay $0x3  }
0x94: {  	_ =	strace s2  }
0x95: {  	s2 =	sld [smem:$0x3FFD];
	_ =	sdelay $0x3  }
0x96: {  	_ =	strace s2  }
0x97: {  	_ =	strace $0x8FFFFFFF  }
0x98: {  	s18 =	sld [smem:$0x3FDB];
	_ =	sdelay $0x1  }
0x99: {  	s19 =	simm.s32 $_scs_section_size  }
0x9a: {  	s4 =	simm.s32 $_size__tile_overlayer_lowered;
	s5 =	simm.s32 $_tile_overlayer_lowered  }
0x9b: {  	s22 =	simm.s32 $0x1BFF;
	s21 =	sshll.u32 s5, $0x1;
	s2 =	sadd.s32 s19, s18  }
0x9c: {  	s6 =	simm.s32 $0x0;
	s20 =	sshll.u32 s4, $0x1;
	s4 =	sadd.s32 s21, s2  }
0x9d: {  	[timem:s6], [sflag:s22] =	dma.local [hbm:s4], s20  }
0x9e: {  	_ =	swait.ge [sflag:s22], s20  }
0x9f: {  	s3 =	ssub.s32 $0x0, s20;
	[sflag:s22] =	ssyncset.done $0x0  }
0xa0: {  	[sflag:s22] =	ssyncadd.s32 s3;
	_ =	sdelay $0x1  }
0xa1: {  	s23 =	simm.s32 $0x1B8B  }
0xa2: {  	_ =	swait.ge [sflag:s23], $0x1  }
0xa3: {  	[sflag:s23] =	ssyncset.done $0x0  }
0xa4: {  	s25 =	simm.s32 $0x1B8E;
	s24 =	sld [smem:$0x3FFE];
	[sflag:s23] =	ssyncadd.s32 $0xFFFFFFFF  }
0xa5: {  	s26 =	simm.s32 $execute0_lowered;
	[smem:$0x3FD2] =	sst s25  }
0xa6: {  	s4 =	sshll.u32 s26, $0x1;
	_ =	strace $0x80000049;
	[dreg:$0x1] =	wrdreg $0xFFFFFFFF  }
0xa7: {  	s28 =	simm.s32 $_size_execute0_lowered;
	s2 =	sadd.s32 s2, s4;
	[dreg:$0x0] =	wrdreg $0x0  }
0xa8: {  	s4 =	sshll.u32 s28, $0x1;
	[dreg:$0x2] =	wrdreg s2  }
0xa9: {  	[dreg:$0x3] =	wrdreg s4  }
0xaa: {  	[dreg:$0x4] =	wrdreg $0xC0  }
0xab: {  	_ =	task [dreg:s6], $0x5FFFF  }
0xac: {  	[dreg:$0x1] =	wrdreg $0xFFFFFFFF  }
0xad: {  	[dreg:$0x0] =	wrdreg $0x60  }
0xae: {  	[dreg:$0x2] =	wrdreg s24  }
0xaf: {  	[dreg:$0x3] =	wrdreg $0x9  }
0xb0: {  	_ =	task.clear_ibuf [dreg:s6], $0x4FFFF;
	_ =	strace $0x90000049  }
0xb1: {  	s29 =	simm.s32 $0x9;
	_ =	strace $0x8000004B  }
0xb2: {  	_ =	swait.ge [sflag:s29], $0x1  }
0xb3: {  	[sflag:s29] =	ssyncadd.s32 $0xFFFFFFFF  }
0xb4: {  	_ =	strace $0x9000004B  }
0xb5: {  	_ =	sfence  }
0xb6: {  	s30 =	sld [smem:$0x0];
	_ =	sdelay $0x2  }
0xb7: {  	s31 =	sshll.u32 s1, $0xD;
	s1 =	sshrl.u32 s1, $0x2  }
0xb8: {  	s3 =	sand.u32 $0x4000, s31;
	s1 =	sadd.s32 s1, s30  }
0xb9: {  	s0 =	sor.u32 s3, s0;
	s1 =	sshll.u32 s1, $0x11  }
0xba: {  	s0 =	sor.u32 s1, s0  }
0xbb: {  	s0 =	sadd.s32 $0x8F2B, s0  }
0xbc: {  	[sflag:s0] =	ssyncadd.remote.s32 $0x1  }
0xbd: {  	_ =	sfence.sel $0xFFFF  }
0xbe: {  	[dreg:$0x0] =	wrdreg $0xFFFFFFFF;
	(pc) =	sbr.abs _section_cstart, $3  }
0xbf: {  	[dreg:$0x1] =	wrdreg $0xFFFFFFFF  }
0xc0: {  	_ =	task.clear_ibuf [dreg:s6], $0x2FFFF;
	_ =	strace $0x9FFFFFFF  }
0xc1: {  	(tm) =	ssettm $0x7FFFFFFF  }
tec
execute0_lowered:
.L_overlay_start_1:
0x0: {  	(tag) =	ssettag $0x1  }
0x1: {  	s0 =	srdreg.scid  }
0x2: {  	s1 =	sshll.u32 s0, $0x4  }
0x3: {  	s0 =	stileid.u32;
	s1 =	sand.u32 $0x10, s1  }
0x4: {  	s1 =	sor.u32 s0, s1  }
0x5: {  	s2 =	smul.u32 $0xF, s1  }
0x6: {  	s3 =	smin.u32 s1, $0x14  }
0x7: {  	s2 =	sadd.s32 s3, s2  }
0x8: {  	p0 =	slt.u32 s1, $0x14;
	s1 =	simm.s32 $0x1400;
	s2 =	smul.u32 $0x140, s2  }
0x9: {  	s1 =	simm.s32 @!p0 $0x12C0  }
0xa: {  	s1 =	sadd.s32 s1, s2  }
0xb: {  	s3 =	smin.u32 s1, $0x27100  }
0xc: {  	s7 =	ssub.s32 s3, s2  }
0xd: {  	p0 =	sgt.s32 s7, $0x0  }
0xe: {  	s7 =	simm.s32 @!p0 $0x0  }
0xf: {  	s31 =	smulhi.u32 $0x66666667, s7  }
0x10: {  	s9 =	rddreg [dreg:$0x0];
	s6 =	simm.s32 $0x1;
	s11 =	simm.s32 $0x3  }
0x11: {  	s13 =	simm.s32 $0x0;
	s12 =	simm.s32 $0x0;
	s8 =	sshrl.u32 s31, $0x7  }
0x12: {  	s4 =	sadd.s32 $0xB0400, s9;
	s5 =	sadd.s32 $0xA000, s9;
	s10 =	smul.u32 $0x140, s8  }
.Ltmp0:
0x13: {  	s9 =	sadd.s32 $0x321400, s9;
	s1 =	rddreg [dreg:$0x1];
	(pc) =	sbr.rel .LBB2_1-.Ltmp0, $4  }
0x14: {  	_ =	strace $0x8000004A;
	p0 =	sne.s32 s7, s10;
	s10 =	simm.s32 $0x1  }
0x15: {  	[sflag:s6] =	ssyncpa.u1 $0x0;
	s7 =	simm.s32 $0x2;
	s10 =	simm.s32 @!p0 $0x0  }
0x16: {  	[sflag:s7] =	ssyncpa.u1 $0x0;
	p0 =	por $0x0, $0x0;
	s8 =	sadd.s32 s10, s8  }
0x17: {  	vm0 =	vmmov $0xff;
	vm1 =	vcmask $0x3F20;
	[sflag:s11] =	ssyncpa.u1 $0x0;
	s11 =	smov.u32 s2;
	s10 =	sadd.s32 $0x1, s8  }
.LBB2_6:
0x18: {  	[hbm:s17] =	stream.linear.scatter [tilespmem:s14], [sflag:$0x3], $0x400, $0x38;
	[tilespmem:$0x14280] =	vst v63  }
.LBB2_7:
0x19: {  	s13 =	sadd.s32 $0x140, s11  }
0x1a: {  	s15 =	smov.u32 s2;
	p2 =	slt.s32 s13, s3  }
0x1b: {  	s15 =	smov.u32 @p2 s13;
	p2 =	sne.s32 s12, s10  }
.Ltmp1:
0x1c: {  	p1 =	slt.u32 s12, $0x2;
	(pc) =	sbr.rel @!p2 .LBB2_8-.Ltmp1, $4  }
0x1d: {  	s14 =	simm.s32 @!p1 $0x3  }
0x1e: {  	s16 =	sadd.s32 $0x1, s12;
	_ =	swait.ge @!p1 [sflag:s14], $0xA000  }
0x1f: {  	p0 =	por !p0, !p0;
	s13 =	smov.u32 s11;
	[sflag:s14] =	ssyncset.done @!p1 $0x0  }
0x20: {  	s12 =	smov.u32 s16;
	s11 =	smov.u32 s15;
	[sflag:s14] =	ssyncadd.s32 @!p1 $0xFFFF6000  }
.LBB2_1:
0x21: {  	p1 =	sge.u32 s12, s8  }
0x22: {  	s14 =	sxor.u32 @!p1 $0xFFFFFFFF, s12  }
0x23: {  	s14 =	sand.u32 @!p1 $0x1, s14  }
0x24: {  	s14 =	smul.u32 @!p1 $0x500, s14  }
0x25: {  	s31 =	sadd.s32 $0xFFFFFFFF, s12;
	s15 =	sshrl.u32 @!p1 s11, $0x3  }
0x26: {  	s16 =	sand.u32 @!p1 $0x7, s11;
	s15 =	sadd.s32 @!p1 s5, s15;
	s14 =	sshrl.u32 @!p1 s14, $0x2  }
0x27: {  	[tilespmem:s14], [sflag:$0x2] =	stream.linear.gather @!p1 [hbm4b:s15+s16], $0x140, $0x38;
	[tilespmem:$0x14280] =	vst v63  }
0x28: {  	p1 =	sge.u32 s31, s8  }
.Ltmp2:
0x29: {  	_ = 	snop;
	(pc) =	sbr.rel @p1 .LBB2_7-.Ltmp2, $1  }
0x2a: {  	_ =	sdelay $0x3  }
0x2b: {  	s14 =	simm.s32 $0x1  }
0x2c: {  	s14 =	simm.s32 @!p0 $0x0  }
0x2d: {  	s15 =	smul.u32 $0x500, s14  }
0x2e: {  	_ =	swait.ge [sflag:s7], $0x140  }
0x2f: {  	[sflag:s7] =	ssyncset.done $0x0;
	s16 =	sshrl.u32 s15, $0x2  }
0x30: {  	[sflag:s7] =	ssyncadd.s32 $0xFFFFFEC0;
	s15 =	sadd.s32 $0x0, s16  }
0x31: {  	v0 =	vld.msk [tilespmem:s15+$0x0 ss:$0x1], $0xffff;
	_ =	sdelay $0x4  }
0x32: {  	v1 =	vand.u32 $0x1F, v0;
	v2 =	vshll.u32 v0, $0x2  }
0x33: {  	vm2 =	veq.s32 v0, $0x80000000;
	v0 =	vmul.u32 $0x9C400, v1;
	v1 =	vand.u32 $0xFFF80, v2  }
0x34: {  	v1 =	vsel vm2, $0xFFFFFF80, v1  }
0x35: {  	v0 =	vsel vm2, $0xFFF63C00, v0;
	v2 =	vand.u32 $0xFFFFFC00, v1  }
0x36: {  	v1 =	vand.u32 $0x380, v1;
	v0 =	vadd.s32 v0, v2  }
0x37: {  	v0 =	vor.u32 v1, v0  }
0x38: {  	v0 =	vshrl.u32 v0, $0x3  }
0x39: {  	s14 =	smul.u32 $0x28000, s14;
	_ =	sdelay $0x1  }
0x3a: {  	s14 =	sshrl.u32 s14, $0x2  }
0x3b: {  	s14 =	sor.u32 $0x280, s14  }
0x3c: {  	[tilespmem:s14], [sflag:$0x1] =	stream.indirect_vreg.gather [hbm:s4], $0x80, v0, vm0, $0x38;
	[tilespmem:$0x14280] =	vst v63  }
0x3d: {  	s17 =	sadd.s32 $0x10, s16;
	s15 =	sadd.s32 $0x400, s14  }
0x3e: {  	[tilespmem:s15], [sflag:$0x1] =	stream.indirect_vreg.gather [hbm:s4], $0x80, v0, vm1, $0x38;
	[tilespmem:$0x14280] =	vst v63  }
0x3f: {  	s18 =	simm.s32 $0x80;
	v0 =	vld.msk [tilespmem:s17+$0x0 ss:$0x1], $0xffff;
	s17 =	smov.u32 s14  }
.LBB2_3:
0x40: {  	p1 =	sne.s32 s18, $0x4C0;
	_ =	sdelay $0x4  }
0x41: {  	v1 =	vand.u32 $0x1F, v0;
	v2 =	vshll.u32 v0, $0x2  }
0x42: {  	vm2 =	veq.s32 v0, $0x80000000;
	v0 =	vmul.u32 $0x9C400, v1;
	v1 =	vand.u32 $0xFFF80, v2  }
0x43: {  	v1 =	vsel vm2, $0xFFFFFF80, v1  }
0x44: {  	v0 =	vsel vm2, $0xFFF63C00, v0;
	v2 =	vand.u32 $0xFFFFFC00, v1  }
0x45: {  	v1 =	vand.u32 $0x380, v1;
	v0 =	vadd.s32 v0, v2  }
0x46: {  	v0 =	vor.u32 v1, v0  }
0x47: {  	v0 =	vshrl.u32 v0, $0x3;
	_ =	sdelay $0x3  }
.Ltmp3:
0x48: {  	s19 =	sshra.s32 s18, $0x2;
	s17 =	sadd.s32 $0x800, s17;
	(pc) =	sbr.rel @p1 .LBB2_3-.Ltmp3, $4  }
0x49: {  	[tilespmem:s17], [sflag:$0x1] =	stream.indirect_vreg.gather [hbm:s4], $0x80, v0, vm0, $0x38;
	[tilespmem:$0x14280] =	vst v63  }
0x4a: {  	s19 =	sadd.s32 s19, s16;
	s20 =	sadd.s32 $0x400, s17  }
0x4b: {  	[tilespmem:s20], [sflag:$0x1] =	stream.indirect_vreg.gather [hbm:s4], $0x80, v0, vm1, $0x38;
	[tilespmem:$0x14280] =	vst v63  }
0x4c: {  	s18 =	sadd.s32 $0x40, s18;
	v0 =	vld.msk [tilespmem:s19+$0x0 ss:$0x1], $0xffff  }
0x4d: {  	_ =	sdelay $0x3  }
0x4e: {  	v1 =	vand.u32 $0x1F, v0;
	v2 =	vshll.u32 v0, $0x2  }
0x4f: {  	vm2 =	veq.s32 v0, $0x80000000;
	v61 =	vmul.u32 $0x9C400, v1;
	v62 =	vand.u32 $0xFFF80, v2  }
0x50: {  	v1 =	vsel vm2, $0xFFFFFF80, v62  }
0x51: {  	v0 =	vsel vm2, $0xFFF63C00, v61;
	v63 =	vand.u32 $0xFFFFFC00, v1  }
0x52: {  	v1 =	vand.u32 $0x380, v1;
	v0 =	vadd.s32 v0, v63  }
0x53: {  	v0 =	vor.u32 v1, v0  }
0x54: {  	v0 =	vshrl.u32 v0, $0x3;
	_ =	sdelay $0x3  }
0x55: {  	s16 =	sadd.s32 $0x800, s17  }
0x56: {  	[tilespmem:s16], [sflag:$0x1] =	stream.indirect_vreg.gather [hbm:s4], $0x80, v0, vm0, $0x38;
	[tilespmem:$0x14280] =	vst v63  }
0x57: {  	s16 =	sadd.s32 $0x400, s16  }
0x58: {  	[tilespmem:s16], [sflag:$0x1] =	stream.indirect_vreg.gather [hbm:s4], $0x80, v0, vm1, $0x38;
	[tilespmem:$0x14280] =	vst v63  }
0x59: {  	s13 =	sshll.u32 s13, $0x4;
	_ =	swait.ge [sflag:s6], $0xA000  }
0x5a: {  	s13 =	sadd.s32 s13, s9;
	[sflag:s6] =	ssyncset.done $0x0  }
0x5b: {  	s17 =	sadd.s32 $0x0, s13;
	s16 =	simm.s32 $0x80;
	[sflag:s6] =	ssyncadd.s32 $0xFFFF6000  }
.LBB2_5:
0x5c: {  	[hbm:s17] =	stream.linear.scatter [tilespmem:s14], [sflag:$0x3], $0x400, $0x38;
	[tilespmem:$0x14280] =	vst v63  }
0x5d: {  	s17 =	smov.u32 s16;
	s14 =	smov.u32 s15;
	p1 =	sne.s32 s16, $0x1380  }
.Ltmp4:
0x5e: {  	s16 =	sadd.s32 $0x80, s16;
	(pc) =	sbr.rel @p1 .LBB2_5-.Ltmp4, $2  }
0x5f: {  	_ =	sdelay $0x2  }
0x60: {  	s15 =	sadd.s32 $0x400, s15;
	s17 =	sadd.s32 s17, s13  }
.Ltmp5:
0x61: {  	_ = 	snop;
	(pc) =	sbr.rel .LBB2_6-.Ltmp5, $1  }
0x62: {  	_ =	sdelay $0x3  }
.LBB2_8:
0x63: {  	_ =	sfence.sel $0x180000  }
0x64: {  	s2 =	simm.s32 $0x2;
	[bflag:$0x0] =	sbarrier.arrive $0xFFFF  }
0x65: {  	s30 =	simm.s32 $0x3;
	[sflag:s2] =	ssyncpa.u1 $0x1  }
0x66: {  	s31 =	simm.s32 $0x1;
	[sflag:s30] =	ssyncpa.u1 $0x1  }
0x67: {  	[sflag:s31] =	ssyncpa.u1 $0x1  }
0x68: {  	p0 =	sne.s32 s0, $0x0;
	_ =	strace $0x9000004A  }
0x69: {  	s0 =	sadd.s32 @!p0 $0x100000, s1;
	[bflag:$0x2] =	sbarrier.arrive $0xFFFF  }
0x6a: {  	[sflag:s0] =	ssyncadd.tile.s32 @!p0 $0x1;
	_ =	shalt  }
.Lfunc_end2:
_tile_overlayer_lowered:
.L_overlay_start_2:
0x6b: {  	(tag) =	ssettag $0x2  }
0x6c: {  	s0 =	rddreg [dreg:$0x0];
	s2 =	stileid.u32  }
0x6d: {  	s1 =	rddreg [dreg:$0x1];
	p0 =	sne.s32 s2, $0x0  }
0x6e: {  	s3 =	rddreg [dreg:$0x2];
	[bflag:$0x3] =	sbarrier.arrive $0xFFFF;
	s2 =	simm.s32 @!p0 $0x1C01  }
0x6f: {  	[timem:s3], [sflag:s2] =	dma.local @!p0 [hbm:s0], s1  }
0x70: {  	s0 =	simm.s32 @!p0 $0x1  }
0x71: {  	_ =	swait.ge @!p0 [sflag:s0], s1  }
0x72: {  	s1 =	ssub.s32 @!p0 $0x0, s1;
	[sflag:s0] =	ssyncset.done @!p0 $0x0  }
0x73: {  	[sflag:s0] =	ssyncadd.s32 @!p0 s1  }
0x74: {  	[bflag:$0x3] =	sbarrier.arrive $0xFFFF  }
0x75: {  	_ =	shalt  }

</sc_bundles>
